<compile_context>
chip_gen: v7x
topology: tpu7x:2x2x1
jax: 0.10.2.dev20260603
libtpu: 0.0.44.dev20260713+nightly
codegen_flags: <defaults>
</compile_context>

<pallas_src>
import functools

import jax
import jax.numpy as jnp
from jax import lax
from jax.experimental import pallas as pl
from jax.experimental.pallas import tpu as pltpu
from jax.experimental.pallas import tpu_sc as plsc

B, C, H, W = 32, 384, 14, 14
N = H * W
K = 9
OUT = 384
RED = 16
NP = 208

_F32 = jnp.float32


def _tc_kernel(x_ref, wcat_ref, b_ref, fc1_ref, fc2_ref, saw_ref, sab_ref,
               at_ref, bvt_ref, idx_ref):
    x = x_ref[0]

    avg = jnp.mean(x, axis=1, keepdims=True)
    mx = jnp.max(x, axis=1, keepdims=True)
    fc1 = fc1_ref[...]
    fc2 = fc2_ref[...]

    def mlp(v):
        h = jnp.maximum(jnp.dot(fc1, v, preferred_element_type=_F32), 0.0)
        return jnp.dot(fc2, h, preferred_element_type=_F32)

    ca = jax.nn.sigmoid(mlp(avg) + mlp(mx))
    x1 = x * ca

    m_mean = jnp.mean(x1, axis=0, keepdims=True)
    m_max = jnp.max(x1, axis=0, keepdims=True)
    sa_in = jnp.concatenate([m_mean, m_max], axis=0)
    PAD = 45
    padded = jnp.concatenate(
        [jnp.zeros((2, PAD), _F32), sa_in, jnp.zeros((2, PAD), _F32)], axis=1)
    px = jax.lax.broadcasted_iota(jnp.int32, (1, N), 1) % W
    saw = saw_ref[...]
    acc = jnp.zeros((1, N), _F32)
    for dy in range(-3, 4):
        for dx in range(-3, 4):
            s = dy * W + dx
            sh = jax.lax.slice(padded, (0, PAD + s), (2, PAD + s + N))
            wcol = jax.lax.slice(saw, (0, (dy + 3) * 7 + (dx + 3)),
                                 (2, (dy + 3) * 7 + (dx + 3) + 1))
            msk = ((px + dx >= 0) & (px + dx < W)).astype(_F32)
            acc = acc + jnp.sum(sh * wcol, axis=0, keepdims=True) * msk
    sa = acc + sab_ref[...]
    att = x1 * jax.nn.sigmoid(sa)

    amax = jnp.max(att, axis=1, keepdims=True)
    e = jnp.exp(att - amax)
    soft = e / jnp.sum(e, axis=1, keepdims=True)
    smax = jnp.max(soft, axis=1, keepdims=True)
    att = soft / (smax + 1e-10)
    att = (2.0 * att - 1.0) / 40.0 + 1.0
    xa = x * att

    nrm = jnp.sqrt(jnp.sum(x * x, axis=0, keepdims=True))
    v = x / (nrm + 1e-12)
    vT = v.T
    sq_col = jnp.sum(vT * vT, axis=1, keepdims=True)
    g = jnp.dot(vT, v, preferred_element_type=_F32)
    neg = 2.0 * g - sq_col - sq_col.T

    iota_l = jax.lax.broadcasted_iota(jnp.int32, (N, N), 1)
    idx_rows = []
    for _ in range(K):
        mval = jnp.max(neg, axis=1, keepdims=True)
        cand = jnp.where(neg == mval, iota_l, N)
        idxk = jnp.min(cand, axis=1, keepdims=True)
        idx_rows.append(idxk.T)
        neg = jnp.where(iota_l == idxk, -jnp.inf, neg)

    ab = jnp.dot(wcat_ref[...].astype(jnp.bfloat16), xa.astype(jnp.bfloat16),
                 preferred_element_type=_F32)
    a_part = jax.lax.slice(ab, (0, 0), (OUT, N)) + b_ref[...]
    b_part = jax.lax.slice(ab, (OUT, 0), (2 * OUT, N))

    zpad = jnp.zeros((OUT, NP - N), _F32)
    at_ref[0] = jnp.concatenate([a_part, zpad], axis=1)
    bvt_ref[0] = jnp.concatenate([b_part, zpad], axis=1)
    idx2 = jnp.concatenate(idx_rows, axis=0)
    idx_ref[0] = jnp.concatenate(
        [idx2, jnp.zeros((K, NP - N), jnp.int32)], axis=1)


def _tc_stage(xr, wcat, bcol, ca_fc1, ca_fc2, saw, sab):
    return pl.pallas_call(
        _tc_kernel,
        grid=(B,),
        in_specs=[
            pl.BlockSpec((1, C, N), lambda i: (i, 0, 0)),
            pl.BlockSpec((2 * OUT, C), lambda i: (0, 0)),
            pl.BlockSpec((OUT, 1), lambda i: (0, 0)),
            pl.BlockSpec((C // RED, C), lambda i: (0, 0)),
            pl.BlockSpec((C, C // RED), lambda i: (0, 0)),
            pl.BlockSpec((2, 49), lambda i: (0, 0)),
            pl.BlockSpec((1, 1), lambda i: (0, 0)),
        ],
        out_specs=[
            pl.BlockSpec((1, OUT, NP), lambda i: (i, 0, 0)),
            pl.BlockSpec((1, OUT, NP), lambda i: (i, 0, 0)),
            pl.BlockSpec((1, K, NP), lambda i: (i, 0, 0)),
        ],
        out_shape=[
            jax.ShapeDtypeStruct((B, OUT, NP), _F32),
            jax.ShapeDtypeStruct((B, OUT, NP), _F32),
            jax.ShapeDtypeStruct((B, K, NP), jnp.int32),
        ],
    )(xr, wcat, bcol, ca_fc1, ca_fc2, saw, sab)


_NC = 2
_GROUPS = NP // 16


@functools.partial(
    pl.kernel,
    mesh=plsc.VectorSubcoreMesh(core_axis_name="c", subcore_axis_name="s"),
    compiler_params=pltpu.CompilerParams(use_tc_tiling_on_sc=False,
                                         needs_layout_passes=False),
    out_type=jax.ShapeDtypeStruct((B, OUT, NP), _F32),
    scratch_types=[
        pltpu.VMEM((OUT * NP,), _F32),
        pltpu.VMEM((K * NP,), jnp.int32),
        pltpu.VMEM((OUT, 16), _F32),
        pltpu.VMEM((OUT, 16), _F32),
    ],
)
def _sc_gather_max(bvt_hbm, at_hbm, idx_hbm, out_hbm, slab, idxv, atg, gbuf):
    wid = lax.axis_index("s") * _NC + lax.axis_index("c")
    pltpu.sync_copy(bvt_hbm.at[wid], slab)
    pltpu.sync_copy(idx_hbm.at[wid], idxv)

    def group_body(gr, carry):
        pltpu.sync_copy(at_hbm.at[wid, :, pl.ds(gr * 16, 16)], atg)
        rows = [idxv[pl.ds(k * NP + gr * 16, 16)] for k in range(K)]

        @plsc.parallel_loop(0, OUT, unroll=8)
        def chan_body(ch):
            base = ch * NP
            m = plsc.load_gather(slab, [rows[0] + base])
            for k in range(1, K):
                m = jnp.maximum(m, plsc.load_gather(slab, [rows[k] + base]))
            o = jnp.maximum(atg[ch] + m, 0.0)
            gbuf[ch] = o

        pltpu.sync_copy(gbuf, out_hbm.at[wid, :, pl.ds(gr * 16, 16)])
        return carry

    lax.fori_loop(0, _GROUPS, group_body, 0)


def kernel(x, conv_w, conv_b, ca_fc1, ca_fc2, sa_w, sa_b):
    xr = x.reshape(B, C, N)
    w1 = conv_w[:, :C]
    w2 = conv_w[:, C:]
    wcat = jnp.concatenate([w1 - w2, w2], axis=0)
    bcol = conv_b.reshape(OUT, 1)
    saw = sa_w.reshape(2, 49)
    sab = sa_b.reshape(1, 1)

    at, bvt, idx = _tc_stage(xr, wcat, bcol, ca_fc1, ca_fc2, saw, sab)
    out_p = _sc_gather_max(bvt.reshape(B, OUT * NP), at, idx.reshape(B, K * NP))
    return out_p[:, :, :N].reshape(B, OUT, H, W)

# --- scband reference (transcript-rebuilt; emitter-appended) ---
"""Pipeline reference for scband-dy-graph-conv2d-45320494907723 (READ-ONLY COPY).

The authoritative reference and input builder live on the scoring server;
editing this copy changes nothing except your own understanding.
"""

import jax, jax.numpy as jnp
import numpy as np

B, C, H, W = 32, 384, 14, 14
N = H * W
K = 9
OUT = 384
RED = 16

def setup_inputs(seed: int = 0):
    key = jax.random.key(seed)
    ks = jax.random.split(key, 6)
    x = jax.random.normal(ks[0], (B, C, H, W), dtype=jnp.float32)
    conv_w = jax.random.normal(ks[1], (OUT, 2 * C), dtype=jnp.float32) / np.sqrt(2 * C)
    conv_b = jnp.zeros((OUT,), dtype=jnp.float32)
    ca_fc1 = jax.random.normal(ks[2], (C // RED, C), dtype=jnp.float32) / np.sqrt(C)
    ca_fc2 = jax.random.normal(ks[3], (C, C // RED), dtype=jnp.float32) / np.sqrt(C // RED)
    sa_w = jax.random.normal(ks[4], (1, 2, 7, 7), dtype=jnp.float32) / np.sqrt(2 * 49)
    sa_b = jnp.zeros((1,), dtype=jnp.float32)
    return {"x": x, "conv_w": conv_w, "conv_b": conv_b, "ca_fc1": ca_fc1, "ca_fc2": ca_fc2, "sa_w": sa_w, "sa_b": sa_b}

def _cbam(x, ca_fc1, ca_fc2, sa_w, sa_b):
    avg = x.mean(axis=(2, 3))
    mx = x.max(axis=(2, 3))
    def mlp(v):
        return jax.nn.relu(v @ ca_fc1.T) @ ca_fc2.T
    ca = jax.nn.sigmoid(mlp(avg) + mlp(mx))[:, :, None, None]
    x1 = x * ca
    sa_in = jnp.concatenate([x1.mean(axis=1, keepdims=True), x1.max(axis=1, keepdims=True)], axis=1)
    sa = jax.lax.conv_general_dilated(sa_in, sa_w, (1, 1), [(3, 3), (3, 3)], dimension_numbers=("NCHW", "OIHW", "NCHW")) + sa_b[None, :, None, None]
    return x1 * jax.nn.sigmoid(sa)

def _build_explain(x, ca_fc1, ca_fc2, sa_w, sa_b):
    scalar = 20
    eps = 1e-10
    att = _cbam(x, ca_fc1, ca_fc2, sa_w, sa_b)
    b, c, h, w = att.shape
    att_soft = jax.nn.softmax(att.reshape(b, c, -1), axis=2).reshape(b, c, h, w)
    att_max = att_soft.reshape(b, c, -1).max(axis=2)[:, :, None, None]
    att = att_soft / (att_max + eps)
    return (2.0 * att - 1.0) / (2.0 * scalar) + 1.0

def _knn_edge_index(xf):
    v = xf[..., 0].transpose(0, 2, 1)
    v = v / (jnp.linalg.norm(v, axis=-1, keepdims=True) + 1e-12)
    sq = jnp.sum(v * v, axis=-1)
    dist = sq[:, :, None] - 2.0 * jnp.einsum("bnc,bmc->bnm", v, v) + sq[:, None, :]
    _, nn_idx = jax.lax.top_k(-dist, K)
    center = jnp.broadcast_to(jnp.arange(N)[None, :, None], (B, N, K))
    return jnp.stack([nn_idx, center], axis=0)

def _batched_index_select(xf, idx):
    feat = xf[..., 0]
    b, c, n = feat.shape
    k = idx.shape[-1]
    idx_e = jnp.broadcast_to(idx.reshape(b, 1, n * k), (b, c, n * k))
    return jnp.take_along_axis(feat, idx_e, axis=2).reshape(b, c, n, k)

def reference(x, conv_w, conv_b, ca_fc1, ca_fc2, sa_w, sa_b):
    xf = x.reshape(B, C, N, 1)
    edge_index = _knn_edge_index(xf)
    att = _build_explain(x, ca_fc1, ca_fc2, sa_w, sa_b).reshape(B, C, N, 1)
    xf = xf * att
    x_i = _batched_index_select(xf, edge_index[1])
    x_j = _batched_index_select(xf, edge_index[0])
    feat = jnp.concatenate([x_i, x_j - x_i], axis=1)
    out = jax.nn.relu(jnp.einsum("oc,bcnk->bonk", conv_w, feat) + conv_b[None, :, None, None])
    out = out.max(axis=-1, keepdims=True)
    return out.reshape(B, OUT, H, W)

if __name__ == "__main__":
    import jax
    _d = setup_inputs()
    print(jax.jit(kernel)(*tuple(_d.values())))

</pallas_src>

<mosaic_0001>
#map = affine_map<(d0, d1) -> (0, 0)>
#map1 = affine_map<(d0, d1) -> (0, 0, 0)>
module attributes {stable_mosaic.version = 14 : i64} {
  func.func @_sc_gather_max(%arg0: i32, %arg1: i32, %arg2: memref<32x79872xf32, #tpu.memory_space<hbm>>, %arg3: memref<32x384x208xf32, #tpu.memory_space<hbm>>, %arg4: memref<32x1872xi32, #tpu.memory_space<hbm>>, %arg5: memref<32x384x208xf32, #tpu.memory_space<hbm>>, %arg6: memref<79872xf32, #tpu.memory_space<vmem>>, %arg7: memref<1872xi32, #tpu.memory_space<vmem>>, %arg8: memref<384x16xf32, #tpu.memory_space<vmem>>, %arg9: memref<384x16xf32, #tpu.memory_space<vmem>>) attributes {dimension_semantics = [#tpu.dimension_semantics<core_parallel>, #tpu.dimension_semantics<subcore_parallel>], iteration_bounds = array<i64: 2, 16>, scalar_prefetch = 0 : i64, scratch_operands = 4 : i64, tpu.core_type = #tpu.core_type<sc_vector_subcore>, window_params = [{transform_indices = #map}, {transform_indices = #map1}, {transform_indices = #map}, {transform_indices = #map1}]} {
    %mul3A = arith.constant 2 : i32
    %mul3A_0 = arith.muli %arg1, %mul3A : i32
    %add3A = arith.addi %mul3A_0, %arg0 : i32
    "tpu.region"() ({
      %run_scoped3A = tpu.sem_alloc : memref<!tpu.dma_semaphore, #tpu.memory_space<semaphore_mem>>
      %dma_start3A = arith.constant 0 : i32
      %dma_start3A_6 = tpu.memref_slice %arg2[%add3A, %dma_start3A] : memref<32x79872xf32, #tpu.memory_space<hbm>> -> memref<1x79872xf32, #tpu.memory_space<hbm>>
      %dma_start3A_7 = tpu.memref_squeeze %dma_start3A_6 : memref<1x79872xf32, #tpu.memory_space<hbm>> -> memref<79872xf32, #tpu.memory_space<hbm>>
      %dma_start3A_8 = arith.constant 0 : i32
      %dma_start3A_9 = tpu.memref_slice %arg2[%add3A, %dma_start3A_8] : memref<32x79872xf32, #tpu.memory_space<hbm>> -> memref<1x79872xf32, #tpu.memory_space<hbm>>
      %dma_start3A_10 = tpu.memref_squeeze %dma_start3A_9 : memref<1x79872xf32, #tpu.memory_space<hbm>> -> memref<79872xf32, #tpu.memory_space<hbm>>
      tpu.enqueue_dma source(%dma_start3A_10 : memref<79872xf32, #tpu.memory_space<hbm>>) target(%arg6 : memref<79872xf32, #tpu.memory_space<vmem>>) target_semaphore(%run_scoped3A : memref<!tpu.dma_semaphore, #tpu.memory_space<semaphore_mem>>)
      %dma_wait3A = arith.constant 0 : i32
      %dma_wait3A_11 = tpu.memref_slice %arg2[%add3A, %dma_wait3A] : memref<32x79872xf32, #tpu.memory_space<hbm>> -> memref<1x79872xf32, #tpu.memory_space<hbm>>
      %dma_wait3A_12 = tpu.memref_squeeze %dma_wait3A_11 : memref<1x79872xf32, #tpu.memory_space<hbm>> -> memref<79872xf32, #tpu.memory_space<hbm>>
      %dma_wait3A_13 = arith.constant 0 : i32
      %dma_wait3A_14 = tpu.memref_slice %arg2[%add3A, %dma_wait3A_13] : memref<32x79872xf32, #tpu.memory_space<hbm>> -> memref<1x79872xf32, #tpu.memory_space<hbm>>
      %dma_wait3A_15 = tpu.memref_squeeze %dma_wait3A_14 : memref<1x79872xf32, #tpu.memory_space<hbm>> -> memref<79872xf32, #tpu.memory_space<hbm>>
      tpu.wait_dma2 semaphore(%run_scoped3A : memref<!tpu.dma_semaphore, #tpu.memory_space<semaphore_mem>>) src(%dma_wait3A_15 : memref<79872xf32, #tpu.memory_space<hbm>>) dst(%arg6 : memref<79872xf32, #tpu.memory_space<vmem>>)
      tpu.yield
    }) : () -> ()
    "tpu.region"() ({
      %run_scoped3A = tpu.sem_alloc : memref<!tpu.dma_semaphore, #tpu.memory_space<semaphore_mem>>
      %dma_start3A = arith.constant 0 : i32
      %dma_start3A_6 = tpu.memref_slice %arg4[%add3A, %dma_start3A] : memref<32x1872xi32, #tpu.memory_space<hbm>> -> memref<1x1872xi32, #tpu.memory_space<hbm>>
      %dma_start3A_7 = tpu.memref_squeeze %dma_start3A_6 : memref<1x1872xi32, #tpu.memory_space<hbm>> -> memref<1872xi32, #tpu.memory_space<hbm>>
      %dma_start3A_8 = arith.constant 0 : i32
      %dma_start3A_9 = tpu.memref_slice %arg4[%add3A, %dma_start3A_8] : memref<32x1872xi32, #tpu.memory_space<hbm>> -> memref<1x1872xi32, #tpu.memory_space<hbm>>
      %dma_start3A_10 = tpu.memref_squeeze %dma_start3A_9 : memref<1x1872xi32, #tpu.memory_space<hbm>> -> memref<1872xi32, #tpu.memory_space<hbm>>
      tpu.enqueue_dma source(%dma_start3A_10 : memref<1872xi32, #tpu.memory_space<hbm>>) target(%arg7 : memref<1872xi32, #tpu.memory_space<vmem>>) target_semaphore(%run_scoped3A : memref<!tpu.dma_semaphore, #tpu.memory_space<semaphore_mem>>)
      %dma_wait3A = arith.constant 0 : i32
      %dma_wait3A_11 = tpu.memref_slice %arg4[%add3A, %dma_wait3A] : memref<32x1872xi32, #tpu.memory_space<hbm>> -> memref<1x1872xi32, #tpu.memory_space<hbm>>
      %dma_wait3A_12 = tpu.memref_squeeze %dma_wait3A_11 : memref<1x1872xi32, #tpu.memory_space<hbm>> -> memref<1872xi32, #tpu.memory_space<hbm>>
      %dma_wait3A_13 = arith.constant 0 : i32
      %dma_wait3A_14 = tpu.memref_slice %arg4[%add3A, %dma_wait3A_13] : memref<32x1872xi32, #tpu.memory_space<hbm>> -> memref<1x1872xi32, #tpu.memory_space<hbm>>
      %dma_wait3A_15 = tpu.memref_squeeze %dma_wait3A_14 : memref<1x1872xi32, #tpu.memory_space<hbm>> -> memref<1872xi32, #tpu.memory_space<hbm>>
      tpu.wait_dma2 semaphore(%run_scoped3A : memref<!tpu.dma_semaphore, #tpu.memory_space<semaphore_mem>>) src(%dma_wait3A_15 : memref<1872xi32, #tpu.memory_space<hbm>>) dst(%arg7 : memref<1872xi32, #tpu.memory_space<vmem>>)
      tpu.yield
    }) : () -> ()
    %scan3A = arith.constant 0 : i32
    %scan3A_1 = arith.constant 0 : i32
    %scan3A_2 = arith.constant 13 : i32
    %scan3A_3 = arith.addi %scan3A_1, %scan3A_2 : i32
    %scan3A_4 = arith.constant 1 : i32
    scf.for %scan3A_6 = %scan3A_1 to %scan3A_3 step %scan3A_4  : i32 {
      %mul3A_7 = arith.constant 16 : i32
      %mul3A_8 = arith.muli %scan3A_6, %mul3A_7 : i32
      "tpu.region"() ({
        %run_scoped3A = tpu.sem_alloc : memref<!tpu.dma_semaphore, #tpu.memory_space<semaphore_mem>>
        %dma_start3A = arith.constant 0 : i32
        %dma_start3A_66 = tpu.memref_slice %arg3[%add3A, %dma_start3A, %mul3A_8] : memref<32x384x208xf32, #tpu.memory_space<hbm>> -> memref<1x384x16xf32, #tpu.memory_space<hbm>>
        %dma_start3A_67 = tpu.memref_squeeze %dma_start3A_66 : memref<1x384x16xf32, #tpu.memory_space<hbm>> -> memref<384x16xf32, #tpu.memory_space<hbm>>
        %dma_start3A_68 = arith.constant 0 : i32
        %dma_start3A_69 = tpu.memref_slice %arg3[%add3A, %dma_start3A_68, %mul3A_8] : memref<32x384x208xf32, #tpu.memory_space<hbm>> -> memref<1x384x16xf32, #tpu.memory_space<hbm>>
        %dma_start3A_70 = tpu.memref_squeeze %dma_start3A_69 : memref<1x384x16xf32, #tpu.memory_space<hbm>> -> memref<384x16xf32, #tpu.memory_space<hbm>>
        tpu.enqueue_dma source(%dma_start3A_70 : memref<384x16xf32, #tpu.memory_space<hbm>>) target(%arg8 : memref<384x16xf32, #tpu.memory_space<vmem>>) target_semaphore(%run_scoped3A : memref<!tpu.dma_semaphore, #tpu.memory_space<semaphore_mem>>)
        %dma_wait3A = arith.constant 0 : i32
        %dma_wait3A_71 = tpu.memref_slice %arg3[%add3A, %dma_wait3A, %mul3A_8] : memref<32x384x208xf32, #tpu.memory_space<hbm>> -> memref<1x384x16xf32, #tpu.memory_space<hbm>>
        %dma_wait3A_72 = tpu.memref_squeeze %dma_wait3A_71 : memref<1x384x16xf32, #tpu.memory_space<hbm>> -> memref<384x16xf32, #tpu.memory_space<hbm>>
        %dma_wait3A_73 = arith.constant 0 : i32
        %dma_wait3A_74 = tpu.memref_slice %arg3[%add3A, %dma_wait3A_73, %mul3A_8] : memref<32x384x208xf32, #tpu.memory_space<hbm>> -> memref<1x384x16xf32, #tpu.memory_space<hbm>>
        %dma_wait3A_75 = tpu.memref_squeeze %dma_wait3A_74 : memref<1x384x16xf32, #tpu.memory_space<hbm>> -> memref<384x16xf32, #tpu.memory_space<hbm>>
        tpu.wait_dma2 semaphore(%run_scoped3A : memref<!tpu.dma_semaphore, #tpu.memory_space<semaphore_mem>>) src(%dma_wait3A_75 : memref<384x16xf32, #tpu.memory_space<hbm>>) dst(%arg8 : memref<384x16xf32, #tpu.memory_space<vmem>>)
        tpu.yield
      }) : () -> ()
      %mul3A_9 = arith.constant 16 : i32
      %mul3A_10 = arith.muli %scan3A_6, %mul3A_9 : i32
      %add3A_11 = arith.constant 0 : i32
      %add3A_12 = arith.addi %add3A_11, %mul3A_10 : i32
      %get3A = arith.index_cast %add3A_12 : i32 to index
      %get3A_13 = tpu.vector_load %arg7[%get3A] {strides = array<i32>} : memref<1872xi32, #tpu.memory_space<vmem>>, vector<16xi32>,
      %mul3A_14 = arith.constant 16 : i32
      %mul3A_15 = arith.muli %scan3A_6, %mul3A_14 : i32
      %add3A_16 = arith.constant 208 : i32
      %add3A_17 = arith.addi %add3A_16, %mul3A_15 : i32
      %get3A_18 = arith.index_cast %add3A_17 : i32 to index
      %get3A_19 = tpu.vector_load %arg7[%get3A_18] {strides = array<i32>} : memref<1872xi32, #tpu.memory_space<vmem>>, vector<16xi32>,
      %mul3A_20 = arith.constant 16 : i32
      %mul3A_21 = arith.muli %scan3A_6, %mul3A_20 : i32
      %add3A_22 = arith.constant 416 : i32
      %add3A_23 = arith.addi %add3A_22, %mul3A_21 : i32
      %get3A_24 = arith.index_cast %add3A_23 : i32 to index
      %get3A_25 = tpu.vector_load %arg7[%get3A_24] {strides = array<i32>} : memref<1872xi32, #tpu.memory_space<vmem>>, vector<16xi32>,
      %mul3A_26 = arith.constant 16 : i32
      %mul3A_27 = arith.muli %scan3A_6, %mul3A_26 : i32
      %add3A_28 = arith.constant 624 : i32
      %add3A_29 = arith.addi %add3A_28, %mul3A_27 : i32
      %get3A_30 = arith.index_cast %add3A_29 : i32 to index
      %get3A_31 = tpu.vector_load %arg7[%get3A_30] {strides = array<i32>} : memref<1872xi32, #tpu.memory_space<vmem>>, vector<16xi32>,
      %mul3A_32 = arith.constant 16 : i32
      %mul3A_33 = arith.muli %scan3A_6, %mul3A_32 : i32
      %add3A_34 = arith.constant 832 : i32
      %add3A_35 = arith.addi %add3A_34, %mul3A_33 : i32
      %get3A_36 = arith.index_cast %add3A_35 : i32 to index
      %get3A_37 = tpu.vector_load %arg7[%get3A_36] {strides = array<i32>} : memref<1872xi32, #tpu.memory_space<vmem>>, vector<16xi32>,
      %mul3A_38 = arith.constant 16 : i32
      %mul3A_39 = arith.muli %scan3A_6, %mul3A_38 : i32
      %add3A_40 = arith.constant 1040 : i32
      %add3A_41 = arith.addi %add3A_40, %mul3A_39 : i32
      %get3A_42 = arith.index_cast %add3A_41 : i32 to index
      %get3A_43 = tpu.vector_load %arg7[%get3A_42] {strides = array<i32>} : memref<1872xi32, #tpu.memory_space<vmem>>, vector<16xi32>,
      %mul3A_44 = arith.constant 16 : i32
      %mul3A_45 = arith.muli %scan3A_6, %mul3A_44 : i32
      %add3A_46 = arith.constant 1248 : i32
      %add3A_47 = arith.addi %add3A_46, %mul3A_45 : i32
      %get3A_48 = arith.index_cast %add3A_47 : i32 to index
      %get3A_49 = tpu.vector_load %arg7[%get3A_48] {strides = array<i32>} : memref<1872xi32, #tpu.memory_space<vmem>>, vector<16xi32>,
      %mul3A_50 = arith.constant 16 : i32
      %mul3A_51 = arith.muli %scan3A_6, %mul3A_50 : i32
      %add3A_52 = arith.constant 1456 : i32
      %add3A_53 = arith.addi %add3A_52, %mul3A_51 : i32
      %get3A_54 = arith.index_cast %add3A_53 : i32 to index
      %get3A_55 = tpu.vector_load %arg7[%get3A_54] {strides = array<i32>} : memref<1872xi32, #tpu.memory_space<vmem>>, vector<16xi32>,
      %mul3A_56 = arith.constant 16 : i32
      %mul3A_57 = arith.muli %scan3A_6, %mul3A_56 : i32
      %add3A_58 = arith.constant 1664 : i32
      %add3A_59 = arith.addi %add3A_58, %mul3A_57 : i32
      %get3A_60 = arith.index_cast %add3A_59 : i32 to index
      %get3A_61 = tpu.vector_load %arg7[%get3A_60] {strides = array<i32>} : memref<1872xi32, #tpu.memory_space<vmem>>, vector<16xi32>,
      %parallel_loop3A = arith.constant 0 : i32
      %parallel_loop3A_62 = arith.constant 384 : i32
      %parallel_loop3A_63 = arith.constant 1 : i32
      scf.for %parallel_loop3A_66 = %parallel_loop3A to %parallel_loop3A_62 step %parallel_loop3A_63  : i32 {
        %parallel_loop3A_67 = arith.constant 208 : i32
        %parallel_loop3A_68 = arith.muli %parallel_loop3A_66, %parallel_loop3A_67 : i32
        %parallel_loop3A_69 = vector.broadcast %parallel_loop3A_68 : i32 to vector<16xi32>
        %parallel_loop3A_70 = arith.addi %get3A_13, %parallel_loop3A_69 : vector<16xi32>
        %parallel_loop3A_71 = tpu.vector_load_idx %arg6[%parallel_loop3A_70] : memref<79872xf32, #tpu.memory_space<vmem>>[vector<16xi32>], vector<16xf32>,
        %parallel_loop3A_72 = vector.broadcast %parallel_loop3A_68 : i32 to vector<16xi32>
        %parallel_loop3A_73 = arith.addi %get3A_19, %parallel_loop3A_72 : vector<16xi32>
        %parallel_loop3A_74 = tpu.vector_load_idx %arg6[%parallel_loop3A_73] : memref<79872xf32, #tpu.memory_space<vmem>>[vector<16xi32>], vector<16xf32>,
        %parallel_loop3A_75 = arith.maximumf %parallel_loop3A_71, %parallel_loop3A_74 : vector<16xf32>
        %parallel_loop3A_76 = vector.broadcast %parallel_loop3A_68 : i32 to vector<16xi32>
        %parallel_loop3A_77 = arith.addi %get3A_25, %parallel_loop3A_76 : vector<16xi32>
        %parallel_loop3A_78 = tpu.vector_load_idx %arg6[%parallel_loop3A_77] : memref<79872xf32, #tpu.memory_space<vmem>>[vector<16xi32>], vector<16xf32>,
        %parallel_loop3A_79 = arith.maximumf %parallel_loop3A_75, %parallel_loop3A_78 : vector<16xf32>
        %parallel_loop3A_80 = vector.broadcast %parallel_loop3A_68 : i32 to vector<16xi32>
        %parallel_loop3A_81 = arith.addi %get3A_31, %parallel_loop3A_80 : vector<16xi32>
        %parallel_loop3A_82 = tpu.vector_load_idx %arg6[%parallel_loop3A_81] : memref<79872xf32, #tpu.memory_space<vmem>>[vector<16xi32>], vector<16xf32>,
        %parallel_loop3A_83 = arith.maximumf %parallel_loop3A_79, %parallel_loop3A_82 : vector<16xf32>
        %parallel_loop3A_84 = vector.broadcast %parallel_loop3A_68 : i32 to vector<16xi32>
        %parallel_loop3A_85 = arith.addi %get3A_37, %parallel_loop3A_84 : vector<16xi32>
        %parallel_loop3A_86 = tpu.vector_load_idx %arg6[%parallel_loop3A_85] : memref<79872xf32, #tpu.memory_space<vmem>>[vector<16xi32>], vector<16xf32>,
        %parallel_loop3A_87 = arith.maximumf %parallel_loop3A_83, %parallel_loop3A_86 : vector<16xf32>
        %parallel_loop3A_88 = vector.broadcast %parallel_loop3A_68 : i32 to vector<16xi32>
        %parallel_loop3A_89 = arith.addi %get3A_43, %parallel_loop3A_88 : vector<16xi32>
        %parallel_loop3A_90 = tpu.vector_load_idx %arg6[%parallel_loop3A_89] : memref<79872xf32, #tpu.memory_space<vmem>>[vector<16xi32>], vector<16xf32>,
        %parallel_loop3A_91 = arith.maximumf %parallel_loop3A_87, %parallel_loop3A_90 : vector<16xf32>
        %parallel_loop3A_92 = vector.broadcast %parallel_loop3A_68 : i32 to vector<16xi32>
        %parallel_loop3A_93 = arith.addi %get3A_49, %parallel_loop3A_92 : vector<16xi32>
        %parallel_loop3A_94 = tpu.vector_load_idx %arg6[%parallel_loop3A_93] : memref<79872xf32, #tpu.memory_space<vmem>>[vector<16xi32>], vector<16xf32>,
        %parallel_loop3A_95 = arith.maximumf %parallel_loop3A_91, %parallel_loop3A_94 : vector<16xf32>
        %parallel_loop3A_96 = vector.broadcast %parallel_loop3A_68 : i32 to vector<16xi32>
        %parallel_loop3A_97 = arith.addi %get3A_55, %parallel_loop3A_96 : vector<16xi32>
        %parallel_loop3A_98 = tpu.vector_load_idx %arg6[%parallel_loop3A_97] : memref<79872xf32, #tpu.memory_space<vmem>>[vector<16xi32>], vector<16xf32>,
        %parallel_loop3A_99 = arith.maximumf %parallel_loop3A_95, %parallel_loop3A_98 : vector<16xf32>
        %parallel_loop3A_100 = vector.broadcast %parallel_loop3A_68 : i32 to vector<16xi32>
        %parallel_loop3A_101 = arith.addi %get3A_61, %parallel_loop3A_100 : vector<16xi32>
        %parallel_loop3A_102 = tpu.vector_load_idx %arg6[%parallel_loop3A_101] : memref<79872xf32, #tpu.memory_space<vmem>>[vector<16xi32>], vector<16xf32>,
        %parallel_loop3A_103 = arith.maximumf %parallel_loop3A_99, %parallel_loop3A_102 : vector<16xf32>
        %parallel_loop3A_104 = arith.index_cast %parallel_loop3A_66 : i32 to index
        %parallel_loop3A_105 = arith.constant 0 : index
        %parallel_loop3A_106 = tpu.vector_load %arg8[%parallel_loop3A_104, %parallel_loop3A_105] {strides = array<i32>} : memref<384x16xf32, #tpu.memory_space<vmem>>, vector<16xf32>,
        %parallel_loop3A_107 = arith.addf %parallel_loop3A_106, %parallel_loop3A_103 : vector<16xf32>
        %parallel_loop3A_108 = arith.constant 0.000000e+00 : f32
        %parallel_loop3A_109 = vector.broadcast %parallel_loop3A_108 : f32 to vector<16xf32>
        %parallel_loop3A_110 = arith.maximumf %parallel_loop3A_107, %parallel_loop3A_109 : vector<16xf32>
        %parallel_loop3A_111 = arith.index_cast %parallel_loop3A_66 : i32 to index
        %parallel_loop3A_112 = arith.constant 0 : index
        %parallel_loop3A_113 = tpu.vector_load %arg9[%parallel_loop3A_111, %parallel_loop3A_112] {strides = array<i32>} : memref<384x16xf32, #tpu.memory_space<vmem>>, vector<16xf32>,
        tpu.vector_store %arg9[%parallel_loop3A_111, %parallel_loop3A_112], %parallel_loop3A_110 {strides = array<i32>} : memref<384x16xf32, #tpu.memory_space<vmem>>, vector<16xf32>,
      } {sc.loop_unroll_factor = 8 : i64, sc.parallel_access}
      %mul3A_64 = arith.constant 16 : i32
      %mul3A_65 = arith.muli %scan3A_6, %mul3A_64 : i32
      "tpu.region"() ({
        %run_scoped3A = tpu.sem_alloc : memref<!tpu.dma_semaphore, #tpu.memory_space<semaphore_mem>>
        %dma_start3A = arith.constant 0 : i32
        %dma_start3A_66 = tpu.memref_slice %arg5[%add3A, %dma_start3A, %mul3A_65] : memref<32x384x208xf32, #tpu.memory_space<hbm>> -> memref<1x384x16xf32, #tpu.memory_space<hbm>>
        %dma_start3A_67 = tpu.memref_squeeze %dma_start3A_66 : memref<1x384x16xf32, #tpu.memory_space<hbm>> -> memref<384x16xf32, #tpu.memory_space<hbm>>
        %dma_start3A_68 = arith.constant 0 : i32
        %dma_start3A_69 = tpu.memref_slice %arg5[%add3A, %dma_start3A_68, %mul3A_65] : memref<32x384x208xf32, #tpu.memory_space<hbm>> -> memref<1x384x16xf32, #tpu.memory_space<hbm>>
        %dma_start3A_70 = tpu.memref_squeeze %dma_start3A_69 : memref<1x384x16xf32, #tpu.memory_space<hbm>> -> memref<384x16xf32, #tpu.memory_space<hbm>>
        tpu.enqueue_dma source(%arg9 : memref<384x16xf32, #tpu.memory_space<vmem>>) target(%dma_start3A_70 : memref<384x16xf32, #tpu.memory_space<hbm>>) target_semaphore(%run_scoped3A : memref<!tpu.dma_semaphore, #tpu.memory_space<semaphore_mem>>)
        %dma_wait3A = arith.constant 0 : i32
        %dma_wait3A_71 = tpu.memref_slice %arg5[%add3A, %dma_wait3A, %mul3A_65] : memref<32x384x208xf32, #tpu.memory_space<hbm>> -> memref<1x384x16xf32, #tpu.memory_space<hbm>>
        %dma_wait3A_72 = tpu.memref_squeeze %dma_wait3A_71 : memref<1x384x16xf32, #tpu.memory_space<hbm>> -> memref<384x16xf32, #tpu.memory_space<hbm>>
        %dma_wait3A_73 = arith.constant 0 : i32
        %dma_wait3A_74 = tpu.memref_slice %arg5[%add3A, %dma_wait3A_73, %mul3A_65] : memref<32x384x208xf32, #tpu.memory_space<hbm>> -> memref<1x384x16xf32, #tpu.memory_space<hbm>>
        %dma_wait3A_75 = tpu.memref_squeeze %dma_wait3A_74 : memref<1x384x16xf32, #tpu.memory_space<hbm>> -> memref<384x16xf32, #tpu.memory_space<hbm>>
        tpu.wait_dma2 semaphore(%run_scoped3A : memref<!tpu.dma_semaphore, #tpu.memory_space<semaphore_mem>>) src(%arg9 : memref<384x16xf32, #tpu.memory_space<vmem>>) dst(%dma_wait3A_75 : memref<384x16xf32, #tpu.memory_space<hbm>>)
        tpu.yield
      }) : () -> ()
    }
    %scan3A_5 = arith.constant 13 : i32
    return
  }
}

module attributes {stable_mosaic.version = 14 : i64} {
  func.func @_tc_kernel(%arg0: i32, %arg1: memref<1x384x196xf32, #tpu.memory_space<vmem>>, %arg2: memref<768x384xf32, #tpu.memory_space<vmem>>, %arg3: memref<384x1xf32, #tpu.memory_space<vmem>>, %arg4: memref<24x384xf32, #tpu.memory_space<vmem>>, %arg5: memref<384x24xf32, #tpu.memory_space<vmem>>, %arg6: memref<2x49xf32, #tpu.memory_space<vmem>>, %arg7: memref<1x1xf32, #tpu.memory_space<vmem>>, %arg8: memref<1x384x208xf32, #tpu.memory_space<vmem>>, %arg9: memref<1x384x208xf32, #tpu.memory_space<vmem>>, %arg10: memref<1x9x208xi32, #tpu.memory_space<vmem>>) attributes {dimension_semantics = [#tpu.dimension_semantics<arbitrary>], iteration_bounds = array<i64: 32>, scalar_prefetch = 0 : i64, scratch_operands = 0 : i64, tpu.core_type = #tpu.core_type<tc>, window_params = [{transform_indices = @transform_0, window_bounds = array<i64: 1, 384, 196>}, {pipeline_mode = #tpu.pipeline_mode<synchronous>, transform_indices = @transform_1, window_bounds = array<i64: 768, 384>}, {pipeline_mode = #tpu.pipeline_mode<synchronous>, transform_indices = @transform_2, window_bounds = array<i64: 384, 1>}, {pipeline_mode = #tpu.pipeline_mode<synchronous>, transform_indices = @transform_3, window_bounds = array<i64: 24, 384>}, {pipeline_mode = #tpu.pipeline_mode<synchronous>, transform_indices = @transform_4, window_bounds = array<i64: 384, 24>}, {pipeline_mode = #tpu.pipeline_mode<synchronous>, transform_indices = @transform_5, window_bounds = array<i64: 2, 49>}, {pipeline_mode = #tpu.pipeline_mode<synchronous>, transform_indices = @transform_6, window_bounds = array<i64: 1, 1>}, {transform_indices = @transform_7, window_bounds = array<i64: 1, 384, 208>}, {transform_indices = @transform_8, window_bounds = array<i64: 1, 384, 208>}, {transform_indices = @transform_9, window_bounds = array<i64: 1, 9, 208>}]} {
    %get3A = arith.constant 0 : index
    %get3A_0 = arith.constant 0 : index
    %get3A_1 = arith.constant 0 : index
    %get3A_2 = vector.load %arg1[%get3A, %get3A_0, %get3A_1] : memref<1x384x196xf32, #tpu.memory_space<vmem>>, vector<1x384x196xf32>
    %get3A_3 = vector.shape_cast %get3A_2 : vector<1x384x196xf32> to vector<384x196xf32>
    %reduce_sum3A = arith.constant dense<0.000000e+00> : vector<384xf32>
    %reduce_sum3A_4 = vector.multi_reduction <add>, %get3A_3, %reduce_sum3A [1] : vector<384x196xf32> to vector<384xf32>
    %broadcast_in_dim3A = vector.shape_cast %reduce_sum3A_4 : vector<384xf32> to vector<384x1xf32>
    %div3A = arith.constant 1.960000e+02 : f32
    %div3A_5 = vector.broadcast %div3A : f32 to vector<384x1xf32>
    %div3A_6 = arith.divf %broadcast_in_dim3A, %div3A_5 : vector<384x1xf32>
    %reduce_max3A = arith.constant dense<0xFF800000> : vector<384xf32>
    %reduce_max3A_7 = vector.multi_reduction <maximumf>, %get3A_3, %reduce_max3A [1] : vector<384x196xf32> to vector<384xf32>
    %broadcast_in_dim3A_8 = vector.shape_cast %reduce_max3A_7 : vector<384xf32> to vector<384x1xf32>
    %get3A_9 = arith.constant 0 : index
    %get3A_10 = arith.constant 0 : index
    %get3A_11 = vector.load %arg4[%get3A_9, %get3A_10] : memref<24x384xf32, #tpu.memory_space<vmem>>, vector<24x384xf32>
    %get3A_12 = arith.constant 0 : index
    %get3A_13 = arith.constant 0 : index
    %get3A_14 = vector.load %arg5[%get3A_12, %get3A_13] : memref<384x24xf32, #tpu.memory_space<vmem>>, vector<384x24xf32>
    %dot_general3A = arith.constant dense<0.000000e+00> : vector<24x1xf32>
    %dot_general3A_15 = tpu.matmul %get3A_11, %div3A_6, %dot_general3A {dimension_numbers = #tpu.dot_dimension_numbers<[1], [0], [0], [1], [0, 0, 1, 1], [], []>, transpose_lhs_hint = false} : vector<24x384xf32>, vector<384x1xf32>, vector<24x1xf32> -> vector<24x1xf32>
    %max3A = arith.constant 0.000000e+00 : f32
    %max3A_16 = vector.broadcast %max3A : f32 to vector<24x1xf32>
    %max3A_17 = arith.maximumf %dot_general3A_15, %max3A_16 : vector<24x1xf32>
    %dot_general3A_18 = arith.constant dense<0.000000e+00> : vector<384x1xf32>
    %dot_general3A_19 = tpu.matmul %get3A_14, %max3A_17, %dot_general3A_18 {dimension_numbers = #tpu.dot_dimension_numbers<[1], [0], [0], [1], [0, 0, 1, 1], [], []>, transpose_lhs_hint = false} : vector<384x24xf32>, vector<24x1xf32>, vector<384x1xf32> -> vector<384x1xf32>
    %dot_general3A_20 = arith.constant dense<0.000000e+00> : vector<24x1xf32>
    %dot_general3A_21 = tpu.matmul %get3A_11, %broadcast_in_dim3A_8, %dot_general3A_20 {dimension_numbers = #tpu.dot_dimension_numbers<[1], [0], [0], [1], [0, 0, 1, 1], [], []>, transpose_lhs_hint = false} : vector<24x384xf32>, vector<384x1xf32>, vector<24x1xf32> -> vector<24x1xf32>
    %max3A_22 = arith.constant 0.000000e+00 : f32
    %max3A_23 = vector.broadcast %max3A_22 : f32 to vector<24x1xf32>
    %max3A_24 = arith.maximumf %dot_general3A_21, %max3A_23 : vector<24x1xf32>
    %dot_general3A_25 = arith.constant dense<0.000000e+00> : vector<384x1xf32>
    %dot_general3A_26 = tpu.matmul %get3A_14, %max3A_24, %dot_general3A_25 {dimension_numbers = #tpu.dot_dimension_numbers<[1], [0], [0], [1], [0, 0, 1, 1], [], []>, transpose_lhs_hint = false} : vector<384x24xf32>, vector<24x1xf32>, vector<384x1xf32> -> vector<384x1xf32>
    %add3A = arith.addf %dot_general3A_19, %dot_general3A_26 : vector<384x1xf32>
    %logistic3A = arith.negf %add3A : vector<384x1xf32>
    %logistic3A_27 = math.exp %logistic3A : vector<384x1xf32>
    %logistic3A_28 = arith.constant 1.000000e+00 : f32
    %logistic3A_29 = vector.broadcast %logistic3A_28 : f32 to vector<384x1xf32>
    %logistic3A_30 = arith.addf %logistic3A_29, %logistic3A_27 : vector<384x1xf32>
    %logistic3A_31 = arith.divf %logistic3A_29, %logistic3A_30 : vector<384x1xf32>
    %mul3A = vector.broadcast %logistic3A_31 : vector<384x1xf32> to vector<384x196xf32>
    %mul3A_32 = arith.mulf %get3A_3, %mul3A : vector<384x196xf32>
    %reduce_sum3A_33 = arith.constant dense<0.000000e+00> : vector<196xf32>
    %reduce_sum3A_34 = vector.multi_reduction <add>, %mul3A_32, %reduce_sum3A_33 [0] : vector<384x196xf32> to vector<196xf32>
    %broadcast_in_dim3A_35 = vector.shape_cast %reduce_sum3A_34 : vector<196xf32> to vector<1x196xf32>
    %div3A_36 = arith.constant 3.840000e+02 : f32
    %div3A_37 = vector.broadcast %div3A_36 : f32 to vector<1x196xf32>
    %div3A_38 = arith.divf %broadcast_in_dim3A_35, %div3A_37 : vector<1x196xf32>
    %reduce_max3A_39 = arith.constant dense<0xFF800000> : vector<196xf32>
    %reduce_max3A_40 = vector.multi_reduction <maximumf>, %mul3A_32, %reduce_max3A_39 [0] : vector<384x196xf32> to vector<196xf32>
    %broadcast_in_dim3A_41 = vector.shape_cast %reduce_max3A_40 : vector<196xf32> to vector<1x196xf32>
    %concatenate3A = tpu.concatenate %div3A_38, %broadcast_in_dim3A_41 in 0 : vector<1x196xf32>, vector<1x196xf32> -> vector<2x196xf32>
    %broadcast_in_dim3A_42 = arith.constant 0.000000e+00 : f32
    %broadcast_in_dim3A_43 = vector.broadcast %broadcast_in_dim3A_42 : f32 to vector<2x45xf32>
    %broadcast_in_dim3A_44 = arith.constant 0.000000e+00 : f32
    %broadcast_in_dim3A_45 = vector.broadcast %broadcast_in_dim3A_44 : f32 to vector<2x45xf32>
    %concatenate3A_46 = tpu.concatenate %broadcast_in_dim3A_43, %concatenate3A, %broadcast_in_dim3A_45 in 1 : vector<2x45xf32>, vector<2x196xf32>, vector<2x45xf32> -> vector<2x286xf32>
    %iota3A = tpu.iota {dimensions = array<i32: 1>} : vector<1x196xi32>
    %jit3A = arith.constant 14 : i32
    %eq3A = arith.constant 0 : i32
    %eq3A_47 = arith.cmpi eq, %jit3A, %eq3A : i32
    %jit3A_48 = arith.constant 1 : i32
    %select_n3A = arith.select %eq3A_47, %jit3A_48, %jit3A : i32
    %rem3A = vector.broadcast %select_n3A : i32 to vector<1x196xi32>
    %rem3A_49 = arith.remsi %iota3A, %rem3A : vector<1x196xi32>
    %ne3A = arith.constant 0 : i32
    %ne3A_50 = vector.broadcast %ne3A : i32 to vector<1x196xi32>
    %ne3A_51 = arith.cmpi ne, %rem3A_49, %ne3A_50 : vector<1x196xi32>
    %lt3A = arith.constant 0 : i32
    %lt3A_52 = vector.broadcast %lt3A : i32 to vector<1x196xi32>
    %lt3A_53 = arith.cmpi slt, %rem3A_49, %lt3A_52 : vector<1x196xi32>
    %lt3A_54 = arith.constant 0 : i32
    %lt3A_55 = arith.cmpi slt, %select_n3A, %lt3A_54 : i32
    %ne3A_56 = vector.broadcast %lt3A_55 : i1 to vector<1x196xi1>
    %ne3A_57 = vector.broadcast %ne3A_56 : vector<1x196xi1> to vector<1x196xi1>
    %ne3A_58 = arith.xori %lt3A_53, %ne3A_57 : vector<1x196xi1>
    %and3A = arith.andi %ne3A_58, %ne3A_51 : vector<1x196xi1>
    %add3A_59 = vector.broadcast %select_n3A : i32 to vector<1x196xi32>
    %add3A_60 = arith.addi %rem3A_49, %add3A_59 : vector<1x196xi32>
    %select_n3A_61 = arith.select %and3A, %add3A_60, %rem3A_49 : vector<1x196xi1>, vector<1x196xi32>
    %get3A_62 = arith.constant 0 : index
    %get3A_63 = arith.constant 0 : index
    %get3A_64 = vector.load %arg6[%get3A_62, %get3A_63] : memref<2x49xf32, #tpu.memory_space<vmem>>, vector<2x49xf32>
    %broadcast_in_dim3A_65 = arith.constant 0.000000e+00 : f32
    %broadcast_in_dim3A_66 = vector.broadcast %broadcast_in_dim3A_65 : f32 to vector<1x196xf32>
    %slice3A = vector.extract_strided_slice %concatenate3A_46 {offsets = [0, 0], sizes = [2, 196], strides = [1, 1]} : vector<2x286xf32> to vector<2x196xf32>
    %slice3A_67 = vector.extract_strided_slice %get3A_64 {offsets = [0, 0], sizes = [2, 1], strides = [1, 1]} : vector<2x49xf32> to vector<2x1xf32>
    %add3A_68 = arith.constant -3 : i32
    %add3A_69 = vector.broadcast %add3A_68 : i32 to vector<1x196xi32>
    %add3A_70 = arith.addi %select_n3A_61, %add3A_69 : vector<1x196xi32>
    %ge3A = arith.constant 0 : i32
    %ge3A_71 = vector.broadcast %ge3A : i32 to vector<1x196xi32>
    %ge3A_72 = arith.cmpi sge, %add3A_70, %ge3A_71 : vector<1x196xi32>
    %add3A_73 = arith.constant -3 : i32
    %add3A_74 = vector.broadcast %add3A_73 : i32 to vector<1x196xi32>
    %add3A_75 = arith.addi %select_n3A_61, %add3A_74 : vector<1x196xi32>
    %lt3A_76 = arith.constant 14 : i32
    %lt3A_77 = vector.broadcast %lt3A_76 : i32 to vector<1x196xi32>
    %lt3A_78 = arith.cmpi slt, %add3A_75, %lt3A_77 : vector<1x196xi32>
    %and3A_79 = arith.andi %ge3A_72, %lt3A_78 : vector<1x196xi1>
    %convert_element_type3A = arith.extui %and3A_79 : vector<1x196xi1> to vector<1x196xi32>
    %convert_element_type3A_80 = arith.sitofp %convert_element_type3A : vector<1x196xi32> to vector<1x196xf32>
    %mul3A_81 = vector.broadcast %slice3A_67 : vector<2x1xf32> to vector<2x196xf32>
    %mul3A_82 = arith.mulf %slice3A, %mul3A_81 : vector<2x196xf32>
    %reduce_sum3A_83 = arith.constant dense<0.000000e+00> : vector<196xf32>
    %reduce_sum3A_84 = vector.multi_reduction <add>, %mul3A_82, %reduce_sum3A_83 [0] : vector<2x196xf32> to vector<196xf32>
    %broadcast_in_dim3A_85 = vector.shape_cast %reduce_sum3A_84 : vector<196xf32> to vector<1x196xf32>
    %mul3A_86 = arith.mulf %broadcast_in_dim3A_85, %convert_element_type3A_80 : vector<1x196xf32>
    %add3A_87 = arith.addf %broadcast_in_dim3A_66, %mul3A_86 : vector<1x196xf32>
    %slice3A_88 = vector.extract_strided_slice %concatenate3A_46 {offsets = [0, 1], sizes = [2, 196], strides = [1, 1]} : vector<2x286xf32> to vector<2x196xf32>
    %slice3A_89 = vector.extract_strided_slice %get3A_64 {offsets = [0, 1], sizes = [2, 1], strides = [1, 1]} : vector<2x49xf32> to vector<2x1xf32>
    %add3A_90 = arith.constant -2 : i32
    %add3A_91 = vector.broadcast %add3A_90 : i32 to vector<1x196xi32>
    %add3A_92 = arith.addi %select_n3A_61, %add3A_91 : vector<1x196xi32>
    %ge3A_93 = arith.constant 0 : i32
    %ge3A_94 = vector.broadcast %ge3A_93 : i32 to vector<1x196xi32>
    %ge3A_95 = arith.cmpi sge, %add3A_92, %ge3A_94 : vector<1x196xi32>
    %add3A_96 = arith.constant -2 : i32
    %add3A_97 = vector.broadcast %add3A_96 : i32 to vector<1x196xi32>
    %add3A_98 = arith.addi %select_n3A_61, %add3A_97 : vector<1x196xi32>
    %lt3A_99 = arith.constant 14 : i32
    %lt3A_100 = vector.broadcast %lt3A_99 : i32 to vector<1x196xi32>
    %lt3A_101 = arith.cmpi slt, %add3A_98, %lt3A_100 : vector<1x196xi32>
    %and3A_102 = arith.andi %ge3A_95, %lt3A_101 : vector<1x196xi1>
    %convert_element_type3A_103 = arith.extui %and3A_102 : vector<1x196xi1> to vector<1x196xi32>
    %convert_element_type3A_104 = arith.sitofp %convert_element_type3A_103 : vector<1x196xi32> to vector<1x196xf32>
    %mul3A_105 = vector.broadcast %slice3A_89 : vector<2x1xf32> to vector<2x196xf32>
    %mul3A_106 = arith.mulf %slice3A_88, %mul3A_105 : vector<2x196xf32>
    %reduce_sum3A_107 = arith.constant dense<0.000000e+00> : vector<196xf32>
    %reduce_sum3A_108 = vector.multi_reduction <add>, %mul3A_106, %reduce_sum3A_107 [0] : vector<2x196xf32> to vector<196xf32>
    %broadcast_in_dim3A_109 = vector.shape_cast %reduce_sum3A_108 : vector<196xf32> to vector<1x196xf32>
    %mul3A_110 = arith.mulf %broadcast_in_dim3A_109, %convert_element_type3A_104 : vector<1x196xf32>
    %add3A_111 = arith.addf %add3A_87, %mul3A_110 : vector<1x196xf32>
    %slice3A_112 = vector.extract_strided_slice %concatenate3A_46 {offsets = [0, 2], sizes = [2, 196], strides = [1, 1]} : vector<2x286xf32> to vector<2x196xf32>
    %slice3A_113 = vector.extract_strided_slice %get3A_64 {offsets = [0, 2], sizes = [2, 1], strides = [1, 1]} : vector<2x49xf32> to vector<2x1xf32>
    %add3A_114 = arith.constant -1 : i32
    %add3A_115 = vector.broadcast %add3A_114 : i32 to vector<1x196xi32>
    %add3A_116 = arith.addi %select_n3A_61, %add3A_115 : vector<1x196xi32>
    %ge3A_117 = arith.constant 0 : i32
    %ge3A_118 = vector.broadcast %ge3A_117 : i32 to vector<1x196xi32>
    %ge3A_119 = arith.cmpi sge, %add3A_116, %ge3A_118 : vector<1x196xi32>
    %add3A_120 = arith.constant -1 : i32
    %add3A_121 = vector.broadcast %add3A_120 : i32 to vector<1x196xi32>
    %add3A_122 = arith.addi %select_n3A_61, %add3A_121 : vector<1x196xi32>
    %lt3A_123 = arith.constant 14 : i32
    %lt3A_124 = vector.broadcast %lt3A_123 : i32 to vector<1x196xi32>
    %lt3A_125 = arith.cmpi slt, %add3A_122, %lt3A_124 : vector<1x196xi32>
    %and3A_126 = arith.andi %ge3A_119, %lt3A_125 : vector<1x196xi1>
    %convert_element_type3A_127 = arith.extui %and3A_126 : vector<1x196xi1> to vector<1x196xi32>
    %convert_element_type3A_128 = arith.sitofp %convert_element_type3A_127 : vector<1x196xi32> to vector<1x196xf32>
    %mul3A_129 = vector.broadcast %slice3A_113 : vector<2x1xf32> to vector<2x196xf32>
    %mul3A_130 = arith.mulf %slice3A_112, %mul3A_129 : vector<2x196xf32>
    %reduce_sum3A_131 = arith.constant dense<0.000000e+00> : vector<196xf32>
    %reduce_sum3A_132 = vector.multi_reduction <add>, %mul3A_130, %reduce_sum3A_131 [0] : vector<2x196xf32> to vector<196xf32>
    %broadcast_in_dim3A_133 = vector.shape_cast %reduce_sum3A_132 : vector<196xf32> to vector<1x196xf32>
    %mul3A_134 = arith.mulf %broadcast_in_dim3A_133, %convert_element_type3A_128 : vector<1x196xf32>
    %add3A_135 = arith.addf %add3A_111, %mul3A_134 : vector<1x196xf32>
    %slice3A_136 = vector.extract_strided_slice %concatenate3A_46 {offsets = [0, 3], sizes = [2, 196], strides = [1, 1]} : vector<2x286xf32> to vector<2x196xf32>
    %slice3A_137 = vector.extract_strided_slice %get3A_64 {offsets = [0, 3], sizes = [2, 1], strides = [1, 1]} : vector<2x49xf32> to vector<2x1xf32>
    %add3A_138 = arith.constant 0 : i32
    %add3A_139 = vector.broadcast %add3A_138 : i32 to vector<1x196xi32>
    %add3A_140 = arith.addi %select_n3A_61, %add3A_139 : vector<1x196xi32>
    %ge3A_141 = arith.constant 0 : i32
    %ge3A_142 = vector.broadcast %ge3A_141 : i32 to vector<1x196xi32>
    %ge3A_143 = arith.cmpi sge, %add3A_140, %ge3A_142 : vector<1x196xi32>
    %add3A_144 = arith.constant 0 : i32
    %add3A_145 = vector.broadcast %add3A_144 : i32 to vector<1x196xi32>
    %add3A_146 = arith.addi %select_n3A_61, %add3A_145 : vector<1x196xi32>
    %lt3A_147 = arith.constant 14 : i32
    %lt3A_148 = vector.broadcast %lt3A_147 : i32 to vector<1x196xi32>
    %lt3A_149 = arith.cmpi slt, %add3A_146, %lt3A_148 : vector<1x196xi32>
    %and3A_150 = arith.andi %ge3A_143, %lt3A_149 : vector<1x196xi1>
    %convert_element_type3A_151 = arith.extui %and3A_150 : vector<1x196xi1> to vector<1x196xi32>
    %convert_element_type3A_152 = arith.sitofp %convert_element_type3A_151 : vector<1x196xi32> to vector<1x196xf32>
    %mul3A_153 = vector.broadcast %slice3A_137 : vector<2x1xf32> to vector<2x196xf32>
    %mul3A_154 = arith.mulf %slice3A_136, %mul3A_153 : vector<2x196xf32>
    %reduce_sum3A_155 = arith.constant dense<0.000000e+00> : vector<196xf32>
    %reduce_sum3A_156 = vector.multi_reduction <add>, %mul3A_154, %reduce_sum3A_155 [0] : vector<2x196xf32> to vector<196xf32>
    %broadcast_in_dim3A_157 = vector.shape_cast %reduce_sum3A_156 : vector<196xf32> to vector<1x196xf32>
    %mul3A_158 = arith.mulf %broadcast_in_dim3A_157, %convert_element_type3A_152 : vector<1x196xf32>
    %add3A_159 = arith.addf %add3A_135, %mul3A_158 : vector<1x196xf32>
    %slice3A_160 = vector.extract_strided_slice %concatenate3A_46 {offsets = [0, 4], sizes = [2, 196], strides = [1, 1]} : vector<2x286xf32> to vector<2x196xf32>
    %slice3A_161 = vector.extract_strided_slice %get3A_64 {offsets = [0, 4], sizes = [2, 1], strides = [1, 1]} : vector<2x49xf32> to vector<2x1xf32>
    %add3A_162 = arith.constant 1 : i32
    %add3A_163 = vector.broadcast %add3A_162 : i32 to vector<1x196xi32>
    %add3A_164 = arith.addi %select_n3A_61, %add3A_163 : vector<1x196xi32>
    %ge3A_165 = arith.constant 0 : i32
    %ge3A_166 = vector.broadcast %ge3A_165 : i32 to vector<1x196xi32>
    %ge3A_167 = arith.cmpi sge, %add3A_164, %ge3A_166 : vector<1x196xi32>
    %add3A_168 = arith.constant 1 : i32
    %add3A_169 = vector.broadcast %add3A_168 : i32 to vector<1x196xi32>
    %add3A_170 = arith.addi %select_n3A_61, %add3A_169 : vector<1x196xi32>
    %lt3A_171 = arith.constant 14 : i32
    %lt3A_172 = vector.broadcast %lt3A_171 : i32 to vector<1x196xi32>
    %lt3A_173 = arith.cmpi slt, %add3A_170, %lt3A_172 : vector<1x196xi32>
    %and3A_174 = arith.andi %ge3A_167, %lt3A_173 : vector<1x196xi1>
    %convert_element_type3A_175 = arith.extui %and3A_174 : vector<1x196xi1> to vector<1x196xi32>
    %convert_element_type3A_176 = arith.sitofp %convert_element_type3A_175 : vector<1x196xi32> to vector<1x196xf32>
    %mul3A_177 = vector.broadcast %slice3A_161 : vector<2x1xf32> to vector<2x196xf32>
    %mul3A_178 = arith.mulf %slice3A_160, %mul3A_177 : vector<2x196xf32>
    %reduce_sum3A_179 = arith.constant dense<0.000000e+00> : vector<196xf32>
    %reduce_sum3A_180 = vector.multi_reduction <add>, %mul3A_178, %reduce_sum3A_179 [0] : vector<2x196xf32> to vector<196xf32>
    %broadcast_in_dim3A_181 = vector.shape_cast %reduce_sum3A_180 : vector<196xf32> to vector<1x196xf32>
    %mul3A_182 = arith.mulf %broadcast_in_dim3A_181, %convert_element_type3A_176 : vector<1x196xf32>
    %add3A_183 = arith.addf %add3A_159, %mul3A_182 : vector<1x196xf32>
    %slice3A_184 = vector.extract_strided_slice %concatenate3A_46 {offsets = [0, 5], sizes = [2, 196], strides = [1, 1]} : vector<2x286xf32> to vector<2x196xf32>
    %slice3A_185 = vector.extract_strided_slice %get3A_64 {offsets = [0, 5], sizes = [2, 1], strides = [1, 1]} : vector<2x49xf32> to vector<2x1xf32>
    %add3A_186 = arith.constant 2 : i32
    %add3A_187 = vector.broadcast %add3A_186 : i32 to vector<1x196xi32>
    %add3A_188 = arith.addi %select_n3A_61, %add3A_187 : vector<1x196xi32>
    %ge3A_189 = arith.constant 0 : i32
    %ge3A_190 = vector.broadcast %ge3A_189 : i32 to vector<1x196xi32>
    %ge3A_191 = arith.cmpi sge, %add3A_188, %ge3A_190 : vector<1x196xi32>
    %add3A_192 = arith.constant 2 : i32
    %add3A_193 = vector.broadcast %add3A_192 : i32 to vector<1x196xi32>
    %add3A_194 = arith.addi %select_n3A_61, %add3A_193 : vector<1x196xi32>
    %lt3A_195 = arith.constant 14 : i32
    %lt3A_196 = vector.broadcast %lt3A_195 : i32 to vector<1x196xi32>
    %lt3A_197 = arith.cmpi slt, %add3A_194, %lt3A_196 : vector<1x196xi32>
    %and3A_198 = arith.andi %ge3A_191, %lt3A_197 : vector<1x196xi1>
    %convert_element_type3A_199 = arith.extui %and3A_198 : vector<1x196xi1> to vector<1x196xi32>
    %convert_element_type3A_200 = arith.sitofp %convert_element_type3A_199 : vector<1x196xi32> to vector<1x196xf32>
    %mul3A_201 = vector.broadcast %slice3A_185 : vector<2x1xf32> to vector<2x196xf32>
    %mul3A_202 = arith.mulf %slice3A_184, %mul3A_201 : vector<2x196xf32>
    %reduce_sum3A_203 = arith.constant dense<0.000000e+00> : vector<196xf32>
    %reduce_sum3A_204 = vector.multi_reduction <add>, %mul3A_202, %reduce_sum3A_203 [0] : vector<2x196xf32> to vector<196xf32>
    %broadcast_in_dim3A_205 = vector.shape_cast %reduce_sum3A_204 : vector<196xf32> to vector<1x196xf32>
    %mul3A_206 = arith.mulf %broadcast_in_dim3A_205, %convert_element_type3A_200 : vector<1x196xf32>
    %add3A_207 = arith.addf %add3A_183, %mul3A_206 : vector<1x196xf32>
    %slice3A_208 = vector.extract_strided_slice %concatenate3A_46 {offsets = [0, 6], sizes = [2, 196], strides = [1, 1]} : vector<2x286xf32> to vector<2x196xf32>
    %slice3A_209 = vector.extract_strided_slice %get3A_64 {offsets = [0, 6], sizes = [2, 1], strides = [1, 1]} : vector<2x49xf32> to vector<2x1xf32>
    %add3A_210 = arith.constant 3 : i32
    %add3A_211 = vector.broadcast %add3A_210 : i32 to vector<1x196xi32>
    %add3A_212 = arith.addi %select_n3A_61, %add3A_211 : vector<1x196xi32>
    %ge3A_213 = arith.constant 0 : i32
    %ge3A_214 = vector.broadcast %ge3A_213 : i32 to vector<1x196xi32>
    %ge3A_215 = arith.cmpi sge, %add3A_212, %ge3A_214 : vector<1x196xi32>
    %add3A_216 = arith.constant 3 : i32
    %add3A_217 = vector.broadcast %add3A_216 : i32 to vector<1x196xi32>
    %add3A_218 = arith.addi %select_n3A_61, %add3A_217 : vector<1x196xi32>
    %lt3A_219 = arith.constant 14 : i32
    %lt3A_220 = vector.broadcast %lt3A_219 : i32 to vector<1x196xi32>
    %lt3A_221 = arith.cmpi slt, %add3A_218, %lt3A_220 : vector<1x196xi32>
    %and3A_222 = arith.andi %ge3A_215, %lt3A_221 : vector<1x196xi1>
    %convert_element_type3A_223 = arith.extui %and3A_222 : vector<1x196xi1> to vector<1x196xi32>
    %convert_element_type3A_224 = arith.sitofp %convert_element_type3A_223 : vector<1x196xi32> to vector<1x196xf32>
    %mul3A_225 = vector.broadcast %slice3A_209 : vector<2x1xf32> to vector<2x196xf32>
    %mul3A_226 = arith.mulf %slice3A_208, %mul3A_225 : vector<2x196xf32>
    %reduce_sum3A_227 = arith.constant dense<0.000000e+00> : vector<196xf32>
    %reduce_sum3A_228 = vector.multi_reduction <add>, %mul3A_226, %reduce_sum3A_227 [0] : vector<2x196xf32> to vector<196xf32>
    %broadcast_in_dim3A_229 = vector.shape_cast %reduce_sum3A_228 : vector<196xf32> to vector<1x196xf32>
    %mul3A_230 = arith.mulf %broadcast_in_dim3A_229, %convert_element_type3A_224 : vector<1x196xf32>
    %add3A_231 = arith.addf %add3A_207, %mul3A_230 : vector<1x196xf32>
    %slice3A_232 = vector.extract_strided_slice %concatenate3A_46 {offsets = [0, 14], sizes = [2, 196], strides = [1, 1]} : vector<2x286xf32> to vector<2x196xf32>
    %slice3A_233 = vector.extract_strided_slice %get3A_64 {offsets = [0, 7], sizes = [2, 1], strides = [1, 1]} : vector<2x49xf32> to vector<2x1xf32>
    %add3A_234 = arith.constant -3 : i32
    %add3A_235 = vector.broadcast %add3A_234 : i32 to vector<1x196xi32>
    %add3A_236 = arith.addi %select_n3A_61, %add3A_235 : vector<1x196xi32>
    %ge3A_237 = arith.constant 0 : i32
    %ge3A_238 = vector.broadcast %ge3A_237 : i32 to vector<1x196xi32>
    %ge3A_239 = arith.cmpi sge, %add3A_236, %ge3A_238 : vector<1x196xi32>
    %add3A_240 = arith.constant -3 : i32
    %add3A_241 = vector.broadcast %add3A_240 : i32 to vector<1x196xi32>
    %add3A_242 = arith.addi %select_n3A_61, %add3A_241 : vector<1x196xi32>
    %lt3A_243 = arith.constant 14 : i32
    %lt3A_244 = vector.broadcast %lt3A_243 : i32 to vector<1x196xi32>
    %lt3A_245 = arith.cmpi slt, %add3A_242, %lt3A_244 : vector<1x196xi32>
    %and3A_246 = arith.andi %ge3A_239, %lt3A_245 : vector<1x196xi1>
    %convert_element_type3A_247 = arith.extui %and3A_246 : vector<1x196xi1> to vector<1x196xi32>
    %convert_element_type3A_248 = arith.sitofp %convert_element_type3A_247 : vector<1x196xi32> to vector<1x196xf32>
    %mul3A_249 = vector.broadcast %slice3A_233 : vector<2x1xf32> to vector<2x196xf32>
    %mul3A_250 = arith.mulf %slice3A_232, %mul3A_249 : vector<2x196xf32>
    %reduce_sum3A_251 = arith.constant dense<0.000000e+00> : vector<196xf32>
    %reduce_sum3A_252 = vector.multi_reduction <add>, %mul3A_250, %reduce_sum3A_251 [0] : vector<2x196xf32> to vector<196xf32>
    %broadcast_in_dim3A_253 = vector.shape_cast %reduce_sum3A_252 : vector<196xf32> to vector<1x196xf32>
    %mul3A_254 = arith.mulf %broadcast_in_dim3A_253, %convert_element_type3A_248 : vector<1x196xf32>
    %add3A_255 = arith.addf %add3A_231, %mul3A_254 : vector<1x196xf32>
    %slice3A_256 = vector.extract_strided_slice %concatenate3A_46 {offsets = [0, 15], sizes = [2, 196], strides = [1, 1]} : vector<2x286xf32> to vector<2x196xf32>
    %slice3A_257 = vector.extract_strided_slice %get3A_64 {offsets = [0, 8], sizes = [2, 1], strides = [1, 1]} : vector<2x49xf32> to vector<2x1xf32>
    %add3A_258 = arith.constant -2 : i32
    %add3A_259 = vector.broadcast %add3A_258 : i32 to vector<1x196xi32>
    %add3A_260 = arith.addi %select_n3A_61, %add3A_259 : vector<1x196xi32>
    %ge3A_261 = arith.constant 0 : i32
    %ge3A_262 = vector.broadcast %ge3A_261 : i32 to vector<1x196xi32>
    %ge3A_263 = arith.cmpi sge, %add3A_260, %ge3A_262 : vector<1x196xi32>
    %add3A_264 = arith.constant -2 : i32
    %add3A_265 = vector.broadcast %add3A_264 : i32 to vector<1x196xi32>
    %add3A_266 = arith.addi %select_n3A_61, %add3A_265 : vector<1x196xi32>
    %lt3A_267 = arith.constant 14 : i32
    %lt3A_268 = vector.broadcast %lt3A_267 : i32 to vector<1x196xi32>
    %lt3A_269 = arith.cmpi slt, %add3A_266, %lt3A_268 : vector<1x196xi32>
    %and3A_270 = arith.andi %ge3A_263, %lt3A_269 : vector<1x196xi1>
    %convert_element_type3A_271 = arith.extui %and3A_270 : vector<1x196xi1> to vector<1x196xi32>
    %convert_element_type3A_272 = arith.sitofp %convert_element_type3A_271 : vector<1x196xi32> to vector<1x196xf32>
    %mul3A_273 = vector.broadcast %slice3A_257 : vector<2x1xf32> to vector<2x196xf32>
    %mul3A_274 = arith.mulf %slice3A_256, %mul3A_273 : vector<2x196xf32>
    %reduce_sum3A_275 = arith.constant dense<0.000000e+00> : vector<196xf32>
    %reduce_sum3A_276 = vector.multi_reduction <add>, %mul3A_274, %reduce_sum3A_275 [0] : vector<2x196xf32> to vector<196xf32>
    %broadcast_in_dim3A_277 = vector.shape_cast %reduce_sum3A_276 : vector<196xf32> to vector<1x196xf32>
    %mul3A_278 = arith.mulf %broadcast_in_dim3A_277, %convert_element_type3A_272 : vector<1x196xf32>
    %add3A_279 = arith.addf %add3A_255, %mul3A_278 : vector<1x196xf32>
    %slice3A_280 = vector.extract_strided_slice %concatenate3A_46 {offsets = [0, 16], sizes = [2, 196], strides = [1, 1]} : vector<2x286xf32> to vector<2x196xf32>
    %slice3A_281 = vector.extract_strided_slice %get3A_64 {offsets = [0, 9], sizes = [2, 1], strides = [1, 1]} : vector<2x49xf32> to vector<2x1xf32>
    %add3A_282 = arith.constant -1 : i32
    %add3A_283 = vector.broadcast %add3A_282 : i32 to vector<1x196xi32>
    %add3A_284 = arith.addi %select_n3A_61, %add3A_283 : vector<1x196xi32>
    %ge3A_285 = arith.constant 0 : i32
    %ge3A_286 = vector.broadcast %ge3A_285 : i32 to vector<1x196xi32>
    %ge3A_287 = arith.cmpi sge, %add3A_284, %ge3A_286 : vector<1x196xi32>
    %add3A_288 = arith.constant -1 : i32
    %add3A_289 = vector.broadcast %add3A_288 : i32 to vector<1x196xi32>
    %add3A_290 = arith.addi %select_n3A_61, %add3A_289 : vector<1x196xi32>
    %lt3A_291 = arith.constant 14 : i32
    %lt3A_292 = vector.broadcast %lt3A_291 : i32 to vector<1x196xi32>
    %lt3A_293 = arith.cmpi slt, %add3A_290, %lt3A_292 : vector<1x196xi32>
    %and3A_294 = arith.andi %ge3A_287, %lt3A_293 : vector<1x196xi1>
    %convert_element_type3A_295 = arith.extui %and3A_294 : vector<1x196xi1> to vector<1x196xi32>
    %convert_element_type3A_296 = arith.sitofp %convert_element_type3A_295 : vector<1x196xi32> to vector<1x196xf32>
    %mul3A_297 = vector.broadcast %slice3A_281 : vector<2x1xf32> to vector<2x196xf32>
    %mul3A_298 = arith.mulf %slice3A_280, %mul3A_297 : vector<2x196xf32>
    %reduce_sum3A_299 = arith.constant dense<0.000000e+00> : vector<196xf32>
    %reduce_sum3A_300 = vector.multi_reduction <add>, %mul3A_298, %reduce_sum3A_299 [0] : vector<2x196xf32> to vector<196xf32>
    %broadcast_in_dim3A_301 = vector.shape_cast %reduce_sum3A_300 : vector<196xf32> to vector<1x196xf32>
    %mul3A_302 = arith.mulf %broadcast_in_dim3A_301, %convert_element_type3A_296 : vector<1x196xf32>
    %add3A_303 = arith.addf %add3A_279, %mul3A_302 : vector<1x196xf32>
    %slice3A_304 = vector.extract_strided_slice %concatenate3A_46 {offsets = [0, 17], sizes = [2, 196], strides = [1, 1]} : vector<2x286xf32> to vector<2x196xf32>
    %slice3A_305 = vector.extract_strided_slice %get3A_64 {offsets = [0, 10], sizes = [2, 1], strides = [1, 1]} : vector<2x49xf32> to vector<2x1xf32>
    %add3A_306 = arith.constant 0 : i32
    %add3A_307 = vector.broadcast %add3A_306 : i32 to vector<1x196xi32>
    %add3A_308 = arith.addi %select_n3A_61, %add3A_307 : vector<1x196xi32>
    %ge3A_309 = arith.constant 0 : i32
    %ge3A_310 = vector.broadcast %ge3A_309 : i32 to vector<1x196xi32>
    %ge3A_311 = arith.cmpi sge, %add3A_308, %ge3A_310 : vector<1x196xi32>
    %add3A_312 = arith.constant 0 : i32
    %add3A_313 = vector.broadcast %add3A_312 : i32 to vector<1x196xi32>
    %add3A_314 = arith.addi %select_n3A_61, %add3A_313 : vector<1x196xi32>
    %lt3A_315 = arith.constant 14 : i32
    %lt3A_316 = vector.broadcast %lt3A_315 : i32 to vector<1x196xi32>
    %lt3A_317 = arith.cmpi slt, %add3A_314, %lt3A_316 : vector<1x196xi32>
    %and3A_318 = arith.andi %ge3A_311, %lt3A_317 : vector<1x196xi1>
    %convert_element_type3A_319 = arith.extui %and3A_318 : vector<1x196xi1> to vector<1x196xi32>
    %convert_element_type3A_320 = arith.sitofp %convert_element_type3A_319 : vector<1x196xi32> to vector<1x196xf32>
    %mul3A_321 = vector.broadcast %slice3A_305 : vector<2x1xf32> to vector<2x196xf32>
    %mul3A_322 = arith.mulf %slice3A_304, %mul3A_321 : vector<2x196xf32>
    %reduce_sum3A_323 = arith.constant dense<0.000000e+00> : vector<196xf32>
    %reduce_sum3A_324 = vector.multi_reduction <add>, %mul3A_322, %reduce_sum3A_323 [0] : vector<2x196xf32> to vector<196xf32>
    %broadcast_in_dim3A_325 = vector.shape_cast %reduce_sum3A_324 : vector<196xf32> to vector<1x196xf32>
    %mul3A_326 = arith.mulf %broadcast_in_dim3A_325, %convert_element_type3A_320 : vector<1x196xf32>
    %add3A_327 = arith.addf %add3A_303, %mul3A_326 : vector<1x196xf32>
    %slice3A_328 = vector.extract_strided_slice %concatenate3A_46 {offsets = [0, 18], sizes = [2, 196], strides = [1, 1]} : vector<2x286xf32> to vector<2x196xf32>
    %slice3A_329 = vector.extract_strided_slice %get3A_64 {offsets = [0, 11], sizes = [2, 1], strides = [1, 1]} : vector<2x49xf32> to vector<2x1xf32>
    %add3A_330 = arith.constant 1 : i32
    %add3A_331 = vector.broadcast %add3A_330 : i32 to vector<1x196xi32>
    %add3A_332 = arith.addi %select_n3A_61, %add3A_331 : vector<1x196xi32>
    %ge3A_333 = arith.constant 0 : i32
    %ge3A_334 = vector.broadcast %ge3A_333 : i32 to vector<1x196xi32>
    %ge3A_335 = arith.cmpi sge, %add3A_332, %ge3A_334 : vector<1x196xi32>
    %add3A_336 = arith.constant 1 : i32
    %add3A_337 = vector.broadcast %add3A_336 : i32 to vector<1x196xi32>
    %add3A_338 = arith.addi %select_n3A_61, %add3A_337 : vector<1x196xi32>
    %lt3A_339 = arith.constant 14 : i32
    %lt3A_340 = vector.broadcast %lt3A_339 : i32 to vector<1x196xi32>
    %lt3A_341 = arith.cmpi slt, %add3A_338, %lt3A_340 : vector<1x196xi32>
    %and3A_342 = arith.andi %ge3A_335, %lt3A_341 : vector<1x196xi1>
    %convert_element_type3A_343 = arith.extui %and3A_342 : vector<1x196xi1> to vector<1x196xi32>
    %convert_element_type3A_344 = arith.sitofp %convert_element_type3A_343 : vector<1x196xi32> to vector<1x196xf32>
    %mul3A_345 = vector.broadcast %slice3A_329 : vector<2x1xf32> to vector<2x196xf32>
    %mul3A_346 = arith.mulf %slice3A_328, %mul3A_345 : vector<2x196xf32>
    %reduce_sum3A_347 = arith.constant dense<0.000000e+00> : vector<196xf32>
    %reduce_sum3A_348 = vector.multi_reduction <add>, %mul3A_346, %reduce_sum3A_347 [0] : vector<2x196xf32> to vector<196xf32>
    %broadcast_in_dim3A_349 = vector.shape_cast %reduce_sum3A_348 : vector<196xf32> to vector<1x196xf32>
    %mul3A_350 = arith.mulf %broadcast_in_dim3A_349, %convert_element_type3A_344 : vector<1x196xf32>
    %add3A_351 = arith.addf %add3A_327, %mul3A_350 : vector<1x196xf32>
    %slice3A_352 = vector.extract_strided_slice %concatenate3A_46 {offsets = [0, 19], sizes = [2, 196], strides = [1, 1]} : vector<2x286xf32> to vector<2x196xf32>
    %slice3A_353 = vector.extract_strided_slice %get3A_64 {offsets = [0, 12], sizes = [2, 1], strides = [1, 1]} : vector<2x49xf32> to vector<2x1xf32>
    %add3A_354 = arith.constant 2 : i32
    %add3A_355 = vector.broadcast %add3A_354 : i32 to vector<1x196xi32>
    %add3A_356 = arith.addi %select_n3A_61, %add3A_355 : vector<1x196xi32>
    %ge3A_357 = arith.constant 0 : i32
    %ge3A_358 = vector.broadcast %ge3A_357 : i32 to vector<1x196xi32>
    %ge3A_359 = arith.cmpi sge, %add3A_356, %ge3A_358 : vector<1x196xi32>
    %add3A_360 = arith.constant 2 : i32
    %add3A_361 = vector.broadcast %add3A_360 : i32 to vector<1x196xi32>
    %add3A_362 = arith.addi %select_n3A_61, %add3A_361 : vector<1x196xi32>
    %lt3A_363 = arith.constant 14 : i32
    %lt3A_364 = vector.broadcast %lt3A_363 : i32 to vector<1x196xi32>
    %lt3A_365 = arith.cmpi slt, %add3A_362, %lt3A_364 : vector<1x196xi32>
    %and3A_366 = arith.andi %ge3A_359, %lt3A_365 : vector<1x196xi1>
    %convert_element_type3A_367 = arith.extui %and3A_366 : vector<1x196xi1> to vector<1x196xi32>
    %convert_element_type3A_368 = arith.sitofp %convert_element_type3A_367 : vector<1x196xi32> to vector<1x196xf32>
    %mul3A_369 = vector.broadcast %slice3A_353 : vector<2x1xf32> to vector<2x196xf32>
    %mul3A_370 = arith.mulf %slice3A_352, %mul3A_369 : vector<2x196xf32>
    %reduce_sum3A_371 = arith.constant dense<0.000000e+00> : vector<196xf32>
    %reduce_sum3A_372 = vector.multi_reduction <add>, %mul3A_370, %reduce_sum3A_371 [0] : vector<2x196xf32> to vector<196xf32>
    %broadcast_in_dim3A_373 = vector.shape_cast %reduce_sum3A_372 : vector<196xf32> to vector<1x196xf32>
    %mul3A_374 = arith.mulf %broadcast_in_dim3A_373, %convert_element_type3A_368 : vector<1x196xf32>
    %add3A_375 = arith.addf %add3A_351, %mul3A_374 : vector<1x196xf32>
    %slice3A_376 = vector.extract_strided_slice %concatenate3A_46 {offsets = [0, 20], sizes = [2, 196], strides = [1, 1]} : vector<2x286xf32> to vector<2x196xf32>
    %slice3A_377 = vector.extract_strided_slice %get3A_64 {offsets = [0, 13], sizes = [2, 1], strides = [1, 1]} : vector<2x49xf32> to vector<2x1xf32>
    %add3A_378 = arith.constant 3 : i32
    %add3A_379 = vector.broadcast %add3A_378 : i32 to vector<1x196xi32>
    %add3A_380 = arith.addi %select_n3A_61, %add3A_379 : vector<1x196xi32>
    %ge3A_381 = arith.constant 0 : i32
    %ge3A_382 = vector.broadcast %ge3A_381 : i32 to vector<1x196xi32>
    %ge3A_383 = arith.cmpi sge, %add3A_380, %ge3A_382 : vector<1x196xi32>
    %add3A_384 = arith.constant 3 : i32
    %add3A_385 = vector.broadcast %add3A_384 : i32 to vector<1x196xi32>
    %add3A_386 = arith.addi %select_n3A_61, %add3A_385 : vector<1x196xi32>
    %lt3A_387 = arith.constant 14 : i32
    %lt3A_388 = vector.broadcast %lt3A_387 : i32 to vector<1x196xi32>
    %lt3A_389 = arith.cmpi slt, %add3A_386, %lt3A_388 : vector<1x196xi32>
    %and3A_390 = arith.andi %ge3A_383, %lt3A_389 : vector<1x196xi1>
    %convert_element_type3A_391 = arith.extui %and3A_390 : vector<1x196xi1> to vector<1x196xi32>
    %convert_element_type3A_392 = arith.sitofp %convert_element_type3A_391 : vector<1x196xi32> to vector<1x196xf32>
    %mul3A_393 = vector.broadcast %slice3A_377 : vector<2x1xf32> to vector<2x196xf32>
    %mul3A_394 = arith.mulf %slice3A_376, %mul3A_393 : vector<2x196xf32>
    %reduce_sum3A_395 = arith.constant dense<0.000000e+00> : vector<196xf32>
    %reduce_sum3A_396 = vector.multi_reduction <add>, %mul3A_394, %reduce_sum3A_395 [0] : vector<2x196xf32> to vector<196xf32>
    %broadcast_in_dim3A_397 = vector.shape_cast %reduce_sum3A_396 : vector<196xf32> to vector<1x196xf32>
    %mul3A_398 = arith.mulf %broadcast_in_dim3A_397, %convert_element_type3A_392 : vector<1x196xf32>
    %add3A_399 = arith.addf %add3A_375, %mul3A_398 : vector<1x196xf32>
    %slice3A_400 = vector.extract_strided_slice %concatenate3A_46 {offsets = [0, 28], sizes = [2, 196], strides = [1, 1]} : vector<2x286xf32> to vector<2x196xf32>
    %slice3A_401 = vector.extract_strided_slice %get3A_64 {offsets = [0, 14], sizes = [2, 1], strides = [1, 1]} : vector<2x49xf32> to vector<2x1xf32>
    %add3A_402 = arith.constant -3 : i32
    %add3A_403 = vector.broadcast %add3A_402 : i32 to vector<1x196xi32>
    %add3A_404 = arith.addi %select_n3A_61, %add3A_403 : vector<1x196xi32>
    %ge3A_405 = arith.constant 0 : i32
    %ge3A_406 = vector.broadcast %ge3A_405 : i32 to vector<1x196xi32>
    %ge3A_407 = arith.cmpi sge, %add3A_404, %ge3A_406 : vector<1x196xi32>
    %add3A_408 = arith.constant -3 : i32
    %add3A_409 = vector.broadcast %add3A_408 : i32 to vector<1x196xi32>
    %add3A_410 = arith.addi %select_n3A_61, %add3A_409 : vector<1x196xi32>
    %lt3A_411 = arith.constant 14 : i32
    %lt3A_412 = vector.broadcast %lt3A_411 : i32 to vector<1x196xi32>
    %lt3A_413 = arith.cmpi slt, %add3A_410, %lt3A_412 : vector<1x196xi32>
    %and3A_414 = arith.andi %ge3A_407, %lt3A_413 : vector<1x196xi1>
    %convert_element_type3A_415 = arith.extui %and3A_414 : vector<1x196xi1> to vector<1x196xi32>
    %convert_element_type3A_416 = arith.sitofp %convert_element_type3A_415 : vector<1x196xi32> to vector<1x196xf32>
    %mul3A_417 = vector.broadcast %slice3A_401 : vector<2x1xf32> to vector<2x196xf32>
    %mul3A_418 = arith.mulf %slice3A_400, %mul3A_417 : vector<2x196xf32>
    %reduce_sum3A_419 = arith.constant dense<0.000000e+00> : vector<196xf32>
    %reduce_sum3A_420 = vector.multi_reduction <add>, %mul3A_418, %reduce_sum3A_419 [0] : vector<2x196xf32> to vector<196xf32>
    %broadcast_in_dim3A_421 = vector.shape_cast %reduce_sum3A_420 : vector<196xf32> to vector<1x196xf32>
    %mul3A_422 = arith.mulf %broadcast_in_dim3A_421, %convert_element_type3A_416 : vector<1x196xf32>
    %add3A_423 = arith.addf %add3A_399, %mul3A_422 : vector<1x196xf32>
    %slice3A_424 = vector.extract_strided_slice %concatenate3A_46 {offsets = [0, 29], sizes = [2, 196], strides = [1, 1]} : vector<2x286xf32> to vector<2x196xf32>
    %slice3A_425 = vector.extract_strided_slice %get3A_64 {offsets = [0, 15], sizes = [2, 1], strides = [1, 1]} : vector<2x49xf32> to vector<2x1xf32>
    %add3A_426 = arith.constant -2 : i32
    %add3A_427 = vector.broadcast %add3A_426 : i32 to vector<1x196xi32>
    %add3A_428 = arith.addi %select_n3A_61, %add3A_427 : vector<1x196xi32>
    %ge3A_429 = arith.constant 0 : i32
    %ge3A_430 = vector.broadcast %ge3A_429 : i32 to vector<1x196xi32>
    %ge3A_431 = arith.cmpi sge, %add3A_428, %ge3A_430 : vector<1x196xi32>
    %add3A_432 = arith.constant -2 : i32
    %add3A_433 = vector.broadcast %add3A_432 : i32 to vector<1x196xi32>
    %add3A_434 = arith.addi %select_n3A_61, %add3A_433 : vector<1x196xi32>
    %lt3A_435 = arith.constant 14 : i32
    %lt3A_436 = vector.broadcast %lt3A_435 : i32 to vector<1x196xi32>
    %lt3A_437 = arith.cmpi slt, %add3A_434, %lt3A_436 : vector<1x196xi32>
    %and3A_438 = arith.andi %ge3A_431, %lt3A_437 : vector<1x196xi1>
    %convert_element_type3A_439 = arith.extui %and3A_438 : vector<1x196xi1> to vector<1x196xi32>
    %convert_element_type3A_440 = arith.sitofp %convert_element_type3A_439 : vector<1x196xi32> to vector<1x196xf32>
    %mul3A_441 = vector.broadcast %slice3A_425 : vector<2x1xf32> to vector<2x196xf32>
    %mul3A_442 = arith.mulf %slice3A_424, %mul3A_441 : vector<2x196xf32>
    %reduce_sum3A_443 = arith.constant dense<0.000000e+00> : vector<196xf32>
    %reduce_sum3A_444 = vector.multi_reduction <add>, %mul3A_442, %reduce_sum3A_443 [0] : vector<2x196xf32> to vector<196xf32>
    %broadcast_in_dim3A_445 = vector.shape_cast %reduce_sum3A_444 : vector<196xf32> to vector<1x196xf32>
    %mul3A_446 = arith.mulf %broadcast_in_dim3A_445, %convert_element_type3A_440 : vector<1x196xf32>
    %add3A_447 = arith.addf %add3A_423, %mul3A_446 : vector<1x196xf32>
    %slice3A_448 = vector.extract_strided_slice %concatenate3A_46 {offsets = [0, 30], sizes = [2, 196], strides = [1, 1]} : vector<2x286xf32> to vector<2x196xf32>
    %slice3A_449 = vector.extract_strided_slice %get3A_64 {offsets = [0, 16], sizes = [2, 1], strides = [1, 1]} : vector<2x49xf32> to vector<2x1xf32>
    %add3A_450 = arith.constant -1 : i32
    %add3A_451 = vector.broadcast %add3A_450 : i32 to vector<1x196xi32>
    %add3A_452 = arith.addi %select_n3A_61, %add3A_451 : vector<1x196xi32>
    %ge3A_453 = arith.constant 0 : i32
    %ge3A_454 = vector.broadcast %ge3A_453 : i32 to vector<1x196xi32>
    %ge3A_455 = arith.cmpi sge, %add3A_452, %ge3A_454 : vector<1x196xi32>
    %add3A_456 = arith.constant -1 : i32
    %add3A_457 = vector.broadcast %add3A_456 : i32 to vector<1x196xi32>
    %add3A_458 = arith.addi %select_n3A_61, %add3A_457 : vector<1x196xi32>
    %lt3A_459 = arith.constant 14 : i32
    %lt3A_460 = vector.broadcast %lt3A_459 : i32 to vector<1x196xi32>
    %lt3A_461 = arith.cmpi slt, %add3A_458, %lt3A_460 : vector<1x196xi32>
    %and3A_462 = arith.andi %ge3A_455, %lt3A_461 : vector<1x196xi1>
    %convert_element_type3A_463 = arith.extui %and3A_462 : vector<1x196xi1> to vector<1x196xi32>
    %convert_element_type3A_464 = arith.sitofp %convert_element_type3A_463 : vector<1x196xi32> to vector<1x196xf32>
    %mul3A_465 = vector.broadcast %slice3A_449 : vector<2x1xf32> to vector<2x196xf32>
    %mul3A_466 = arith.mulf %slice3A_448, %mul3A_465 : vector<2x196xf32>
    %reduce_sum3A_467 = arith.constant dense<0.000000e+00> : vector<196xf32>
    %reduce_sum3A_468 = vector.multi_reduction <add>, %mul3A_466, %reduce_sum3A_467 [0] : vector<2x196xf32> to vector<196xf32>
    %broadcast_in_dim3A_469 = vector.shape_cast %reduce_sum3A_468 : vector<196xf32> to vector<1x196xf32>
    %mul3A_470 = arith.mulf %broadcast_in_dim3A_469, %convert_element_type3A_464 : vector<1x196xf32>
    %add3A_471 = arith.addf %add3A_447, %mul3A_470 : vector<1x196xf32>
    %slice3A_472 = vector.extract_strided_slice %concatenate3A_46 {offsets = [0, 31], sizes = [2, 196], strides = [1, 1]} : vector<2x286xf32> to vector<2x196xf32>
    %slice3A_473 = vector.extract_strided_slice %get3A_64 {offsets = [0, 17], sizes = [2, 1], strides = [1, 1]} : vector<2x49xf32> to vector<2x1xf32>
    %add3A_474 = arith.constant 0 : i32
    %add3A_475 = vector.broadcast %add3A_474 : i32 to vector<1x196xi32>
    %add3A_476 = arith.addi %select_n3A_61, %add3A_475 : vector<1x196xi32>
    %ge3A_477 = arith.constant 0 : i32
    %ge3A_478 = vector.broadcast %ge3A_477 : i32 to vector<1x196xi32>
    %ge3A_479 = arith.cmpi sge, %add3A_476, %ge3A_478 : vector<1x196xi32>
    %add3A_480 = arith.constant 0 : i32
    %add3A_481 = vector.broadcast %add3A_480 : i32 to vector<1x196xi32>
    %add3A_482 = arith.addi %select_n3A_61, %add3A_481 : vector<1x196xi32>
    %lt3A_483 = arith.constant 14 : i32
    %lt3A_484 = vector.broadcast %lt3A_483 : i32 to vector<1x196xi32>
    %lt3A_485 = arith.cmpi slt, %add3A_482, %lt3A_484 : vector<1x196xi32>
    %and3A_486 = arith.andi %ge3A_479, %lt3A_485 : vector<1x196xi1>
    %convert_element_type3A_487 = arith.extui %and3A_486 : vector<1x196xi1> to vector<1x196xi32>
    %convert_element_type3A_488 = arith.sitofp %convert_element_type3A_487 : vector<1x196xi32> to vector<1x196xf32>
    %mul3A_489 = vector.broadcast %slice3A_473 : vector<2x1xf32> to vector<2x196xf32>
    %mul3A_490 = arith.mulf %slice3A_472, %mul3A_489 : vector<2x196xf32>
    %reduce_sum3A_491 = arith.constant dense<0.000000e+00> : vector<196xf32>
    %reduce_sum3A_492 = vector.multi_reduction <add>, %mul3A_490, %reduce_sum3A_491 [0] : vector<2x196xf32> to vector<196xf32>
    %broadcast_in_dim3A_493 = vector.shape_cast %reduce_sum3A_492 : vector<196xf32> to vector<1x196xf32>
    %mul3A_494 = arith.mulf %broadcast_in_dim3A_493, %convert_element_type3A_488 : vector<1x196xf32>
    %add3A_495 = arith.addf %add3A_471, %mul3A_494 : vector<1x196xf32>
    %slice3A_496 = vector.extract_strided_slice %concatenate3A_46 {offsets = [0, 32], sizes = [2, 196], strides = [1, 1]} : vector<2x286xf32> to vector<2x196xf32>
    %slice3A_497 = vector.extract_strided_slice %get3A_64 {offsets = [0, 18], sizes = [2, 1], strides = [1, 1]} : vector<2x49xf32> to vector<2x1xf32>
    %add3A_498 = arith.constant 1 : i32
    %add3A_499 = vector.broadcast %add3A_498 : i32 to vector<1x196xi32>
    %add3A_500 = arith.addi %select_n3A_61, %add3A_499 : vector<1x196xi32>
    %ge3A_501 = arith.constant 0 : i32
    %ge3A_502 = vector.broadcast %ge3A_501 : i32 to vector<1x196xi32>
    %ge3A_503 = arith.cmpi sge, %add3A_500, %ge3A_502 : vector<1x196xi32>
    %add3A_504 = arith.constant 1 : i32
    %add3A_505 = vector.broadcast %add3A_504 : i32 to vector<1x196xi32>
    %add3A_506 = arith.addi %select_n3A_61, %add3A_505 : vector<1x196xi32>
    %lt3A_507 = arith.constant 14 : i32
    %lt3A_508 = vector.broadcast %lt3A_507 : i32 to vector<1x196xi32>
    %lt3A_509 = arith.cmpi slt, %add3A_506, %lt3A_508 : vector<1x196xi32>
    %and3A_510 = arith.andi %ge3A_503, %lt3A_509 : vector<1x196xi1>
    %convert_element_type3A_511 = arith.extui %and3A_510 : vector<1x196xi1> to vector<1x196xi32>
    %convert_element_type3A_512 = arith.sitofp %convert_element_type3A_511 : vector<1x196xi32> to vector<1x196xf32>
    %mul3A_513 = vector.broadcast %slice3A_497 : vector<2x1xf32> to vector<2x196xf32>
    %mul3A_514 = arith.mulf %slice3A_496, %mul3A_513 : vector<2x196xf32>
    %reduce_sum3A_515 = arith.constant dense<0.000000e+00> : vector<196xf32>
    %reduce_sum3A_516 = vector.multi_reduction <add>, %mul3A_514, %reduce_sum3A_515 [0] : vector<2x196xf32> to vector<196xf32>
    %broadcast_in_dim3A_517 = vector.shape_cast %reduce_sum3A_516 : vector<196xf32> to vector<1x196xf32>
    %mul3A_518 = arith.mulf %broadcast_in_dim3A_517, %convert_element_type3A_512 : vector<1x196xf32>
    %add3A_519 = arith.addf %add3A_495, %mul3A_518 : vector<1x196xf32>
    %slice3A_520 = vector.extract_strided_slice %concatenate3A_46 {offsets = [0, 33], sizes = [2, 196], strides = [1, 1]} : vector<2x286xf32> to vector<2x196xf32>
    %slice3A_521 = vector.extract_strided_slice %get3A_64 {offsets = [0, 19], sizes = [2, 1], strides = [1, 1]} : vector<2x49xf32> to vector<2x1xf32>
    %add3A_522 = arith.constant 2 : i32
    %add3A_523 = vector.broadcast %add3A_522 : i32 to vector<1x196xi32>
    %add3A_524 = arith.addi %select_n3A_61, %add3A_523 : vector<1x196xi32>
    %ge3A_525 = arith.constant 0 : i32
    %ge3A_526 = vector.broadcast %ge3A_525 : i32 to vector<1x196xi32>
    %ge3A_527 = arith.cmpi sge, %add3A_524, %ge3A_526 : vector<1x196xi32>
    %add3A_528 = arith.constant 2 : i32
    %add3A_529 = vector.broadcast %add3A_528 : i32 to vector<1x196xi32>
    %add3A_530 = arith.addi %select_n3A_61, %add3A_529 : vector<1x196xi32>
    %lt3A_531 = arith.constant 14 : i32
    %lt3A_532 = vector.broadcast %lt3A_531 : i32 to vector<1x196xi32>
    %lt3A_533 = arith.cmpi slt, %add3A_530, %lt3A_532 : vector<1x196xi32>
    %and3A_534 = arith.andi %ge3A_527, %lt3A_533 : vector<1x196xi1>
    %convert_element_type3A_535 = arith.extui %and3A_534 : vector<1x196xi1> to vector<1x196xi32>
    %convert_element_type3A_536 = arith.sitofp %convert_element_type3A_535 : vector<1x196xi32> to vector<1x196xf32>
    %mul3A_537 = vector.broadcast %slice3A_521 : vector<2x1xf32> to vector<2x196xf32>
    %mul3A_538 = arith.mulf %slice3A_520, %mul3A_537 : vector<2x196xf32>
    %reduce_sum3A_539 = arith.constant dense<0.000000e+00> : vector<196xf32>
    %reduce_sum3A_540 = vector.multi_reduction <add>, %mul3A_538, %reduce_sum3A_539 [0] : vector<2x196xf32> to vector<196xf32>
    %broadcast_in_dim3A_541 = vector.shape_cast %reduce_sum3A_540 : vector<196xf32> to vector<1x196xf32>
    %mul3A_542 = arith.mulf %broadcast_in_dim3A_541, %convert_element_type3A_536 : vector<1x196xf32>
    %add3A_543 = arith.addf %add3A_519, %mul3A_542 : vector<1x196xf32>
    %slice3A_544 = vector.extract_strided_slice %concatenate3A_46 {offsets = [0, 34], sizes = [2, 196], strides = [1, 1]} : vector<2x286xf32> to vector<2x196xf32>
    %slice3A_545 = vector.extract_strided_slice %get3A_64 {offsets = [0, 20], sizes = [2, 1], strides = [1, 1]} : vector<2x49xf32> to vector<2x1xf32>
    %add3A_546 = arith.constant 3 : i32
    %add3A_547 = vector.broadcast %add3A_546 : i32 to vector<1x196xi32>
    %add3A_548 = arith.addi %select_n3A_61, %add3A_547 : vector<1x196xi32>
    %ge3A_549 = arith.constant 0 : i32
    %ge3A_550 = vector.broadcast %ge3A_549 : i32 to vector<1x196xi32>
    %ge3A_551 = arith.cmpi sge, %add3A_548, %ge3A_550 : vector<1x196xi32>
    %add3A_552 = arith.constant 3 : i32
    %add3A_553 = vector.broadcast %add3A_552 : i32 to vector<1x196xi32>
    %add3A_554 = arith.addi %select_n3A_61, %add3A_553 : vector<1x196xi32>
    %lt3A_555 = arith.constant 14 : i32
    %lt3A_556 = vector.broadcast %lt3A_555 : i32 to vector<1x196xi32>
    %lt3A_557 = arith.cmpi slt, %add3A_554, %lt3A_556 : vector<1x196xi32>
    %and3A_558 = arith.andi %ge3A_551, %lt3A_557 : vector<1x196xi1>
    %convert_element_type3A_559 = arith.extui %and3A_558 : vector<1x196xi1> to vector<1x196xi32>
    %convert_element_type3A_560 = arith.sitofp %convert_element_type3A_559 : vector<1x196xi32> to vector<1x196xf32>
    %mul3A_561 = vector.broadcast %slice3A_545 : vector<2x1xf32> to vector<2x196xf32>
    %mul3A_562 = arith.mulf %slice3A_544, %mul3A_561 : vector<2x196xf32>
    %reduce_sum3A_563 = arith.constant dense<0.000000e+00> : vector<196xf32>
    %reduce_sum3A_564 = vector.multi_reduction <add>, %mul3A_562, %reduce_sum3A_563 [0] : vector<2x196xf32> to vector<196xf32>
    %broadcast_in_dim3A_565 = vector.shape_cast %reduce_sum3A_564 : vector<196xf32> to vector<1x196xf32>
    %mul3A_566 = arith.mulf %broadcast_in_dim3A_565, %convert_element_type3A_560 : vector<1x196xf32>
    %add3A_567 = arith.addf %add3A_543, %mul3A_566 : vector<1x196xf32>
    %slice3A_568 = vector.extract_strided_slice %concatenate3A_46 {offsets = [0, 42], sizes = [2, 196], strides = [1, 1]} : vector<2x286xf32> to vector<2x196xf32>
    %slice3A_569 = vector.extract_strided_slice %get3A_64 {offsets = [0, 21], sizes = [2, 1], strides = [1, 1]} : vector<2x49xf32> to vector<2x1xf32>
    %add3A_570 = arith.constant -3 : i32
    %add3A_571 = vector.broadcast %add3A_570 : i32 to vector<1x196xi32>
    %add3A_572 = arith.addi %select_n3A_61, %add3A_571 : vector<1x196xi32>
    %ge3A_573 = arith.constant 0 : i32
    %ge3A_574 = vector.broadcast %ge3A_573 : i32 to vector<1x196xi32>
    %ge3A_575 = arith.cmpi sge, %add3A_572, %ge3A_574 : vector<1x196xi32>
    %add3A_576 = arith.constant -3 : i32
    %add3A_577 = vector.broadcast %add3A_576 : i32 to vector<1x196xi32>
    %add3A_578 = arith.addi %select_n3A_61, %add3A_577 : vector<1x196xi32>
    %lt3A_579 = arith.constant 14 : i32
    %lt3A_580 = vector.broadcast %lt3A_579 : i32 to vector<1x196xi32>
    %lt3A_581 = arith.cmpi slt, %add3A_578, %lt3A_580 : vector<1x196xi32>
    %and3A_582 = arith.andi %ge3A_575, %lt3A_581 : vector<1x196xi1>
    %convert_element_type3A_583 = arith.extui %and3A_582 : vector<1x196xi1> to vector<1x196xi32>
    %convert_element_type3A_584 = arith.sitofp %convert_element_type3A_583 : vector<1x196xi32> to vector<1x196xf32>
    %mul3A_585 = vector.broadcast %slice3A_569 : vector<2x1xf32> to vector<2x196xf32>
    %mul3A_586 = arith.mulf %slice3A_568, %mul3A_585 : vector<2x196xf32>
    %reduce_sum3A_587 = arith.constant dense<0.000000e+00> : vector<196xf32>
    %reduce_sum3A_588 = vector.multi_reduction <add>, %mul3A_586, %reduce_sum3A_587 [0] : vector<2x196xf32> to vector<196xf32>
    %broadcast_in_dim3A_589 = vector.shape_cast %reduce_sum3A_588 : vector<196xf32> to vector<1x196xf32>
    %mul3A_590 = arith.mulf %broadcast_in_dim3A_589, %convert_element_type3A_584 : vector<1x196xf32>
    %add3A_591 = arith.addf %add3A_567, %mul3A_590 : vector<1x196xf32>
    %slice3A_592 = vector.extract_strided_slice %concatenate3A_46 {offsets = [0, 43], sizes = [2, 196], strides = [1, 1]} : vector<2x286xf32> to vector<2x196xf32>
    %slice3A_593 = vector.extract_strided_slice %get3A_64 {offsets = [0, 22], sizes = [2, 1], strides = [1, 1]} : vector<2x49xf32> to vector<2x1xf32>
    %add3A_594 = arith.constant -2 : i32
    %add3A_595 = vector.broadcast %add3A_594 : i32 to vector<1x196xi32>
    %add3A_596 = arith.addi %select_n3A_61, %add3A_595 : vector<1x196xi32>
    %ge3A_597 = arith.constant 0 : i32
    %ge3A_598 = vector.broadcast %ge3A_597 : i32 to vector<1x196xi32>
    %ge3A_599 = arith.cmpi sge, %add3A_596, %ge3A_598 : vector<1x196xi32>
    %add3A_600 = arith.constant -2 : i32
    %add3A_601 = vector.broadcast %add3A_600 : i32 to vector<1x196xi32>
    %add3A_602 = arith.addi %select_n3A_61, %add3A_601 : vector<1x196xi32>
    %lt3A_603 = arith.constant 14 : i32
    %lt3A_604 = vector.broadcast %lt3A_603 : i32 to vector<1x196xi32>
    %lt3A_605 = arith.cmpi slt, %add3A_602, %lt3A_604 : vector<1x196xi32>
    %and3A_606 = arith.andi %ge3A_599, %lt3A_605 : vector<1x196xi1>
    %convert_element_type3A_607 = arith.extui %and3A_606 : vector<1x196xi1> to vector<1x196xi32>
    %convert_element_type3A_608 = arith.sitofp %convert_element_type3A_607 : vector<1x196xi32> to vector<1x196xf32>
    %mul3A_609 = vector.broadcast %slice3A_593 : vector<2x1xf32> to vector<2x196xf32>
    %mul3A_610 = arith.mulf %slice3A_592, %mul3A_609 : vector<2x196xf32>
    %reduce_sum3A_611 = arith.constant dense<0.000000e+00> : vector<196xf32>
    %reduce_sum3A_612 = vector.multi_reduction <add>, %mul3A_610, %reduce_sum3A_611 [0] : vector<2x196xf32> to vector<196xf32>
    %broadcast_in_dim3A_613 = vector.shape_cast %reduce_sum3A_612 : vector<196xf32> to vector<1x196xf32>
    %mul3A_614 = arith.mulf %broadcast_in_dim3A_613, %convert_element_type3A_608 : vector<1x196xf32>
    %add3A_615 = arith.addf %add3A_591, %mul3A_614 : vector<1x196xf32>
    %slice3A_616 = vector.extract_strided_slice %concatenate3A_46 {offsets = [0, 44], sizes = [2, 196], strides = [1, 1]} : vector<2x286xf32> to vector<2x196xf32>
    %slice3A_617 = vector.extract_strided_slice %get3A_64 {offsets = [0, 23], sizes = [2, 1], strides = [1, 1]} : vector<2x49xf32> to vector<2x1xf32>
    %add3A_618 = arith.constant -1 : i32
    %add3A_619 = vector.broadcast %add3A_618 : i32 to vector<1x196xi32>
    %add3A_620 = arith.addi %select_n3A_61, %add3A_619 : vector<1x196xi32>
    %ge3A_621 = arith.constant 0 : i32
    %ge3A_622 = vector.broadcast %ge3A_621 : i32 to vector<1x196xi32>
    %ge3A_623 = arith.cmpi sge, %add3A_620, %ge3A_622 : vector<1x196xi32>
    %add3A_624 = arith.constant -1 : i32
    %add3A_625 = vector.broadcast %add3A_624 : i32 to vector<1x196xi32>
    %add3A_626 = arith.addi %select_n3A_61, %add3A_625 : vector<1x196xi32>
    %lt3A_627 = arith.constant 14 : i32
    %lt3A_628 = vector.broadcast %lt3A_627 : i32 to vector<1x196xi32>
    %lt3A_629 = arith.cmpi slt, %add3A_626, %lt3A_628 : vector<1x196xi32>
    %and3A_630 = arith.andi %ge3A_623, %lt3A_629 : vector<1x196xi1>
    %convert_element_type3A_631 = arith.extui %and3A_630 : vector<1x196xi1> to vector<1x196xi32>
    %convert_element_type3A_632 = arith.sitofp %convert_element_type3A_631 : vector<1x196xi32> to vector<1x196xf32>
    %mul3A_633 = vector.broadcast %slice3A_617 : vector<2x1xf32> to vector<2x196xf32>
    %mul3A_634 = arith.mulf %slice3A_616, %mul3A_633 : vector<2x196xf32>
    %reduce_sum3A_635 = arith.constant dense<0.000000e+00> : vector<196xf32>
    %reduce_sum3A_636 = vector.multi_reduction <add>, %mul3A_634, %reduce_sum3A_635 [0] : vector<2x196xf32> to vector<196xf32>
    %broadcast_in_dim3A_637 = vector.shape_cast %reduce_sum3A_636 : vector<196xf32> to vector<1x196xf32>
    %mul3A_638 = arith.mulf %broadcast_in_dim3A_637, %convert_element_type3A_632 : vector<1x196xf32>
    %add3A_639 = arith.addf %add3A_615, %mul3A_638 : vector<1x196xf32>
    %slice3A_640 = vector.extract_strided_slice %concatenate3A_46 {offsets = [0, 45], sizes = [2, 196], strides = [1, 1]} : vector<2x286xf32> to vector<2x196xf32>
    %slice3A_641 = vector.extract_strided_slice %get3A_64 {offsets = [0, 24], sizes = [2, 1], strides = [1, 1]} : vector<2x49xf32> to vector<2x1xf32>
    %add3A_642 = arith.constant 0 : i32
    %add3A_643 = vector.broadcast %add3A_642 : i32 to vector<1x196xi32>
    %add3A_644 = arith.addi %select_n3A_61, %add3A_643 : vector<1x196xi32>
    %ge3A_645 = arith.constant 0 : i32
    %ge3A_646 = vector.broadcast %ge3A_645 : i32 to vector<1x196xi32>
    %ge3A_647 = arith.cmpi sge, %add3A_644, %ge3A_646 : vector<1x196xi32>
    %add3A_648 = arith.constant 0 : i32
    %add3A_649 = vector.broadcast %add3A_648 : i32 to vector<1x196xi32>
    %add3A_650 = arith.addi %select_n3A_61, %add3A_649 : vector<1x196xi32>
    %lt3A_651 = arith.constant 14 : i32
    %lt3A_652 = vector.broadcast %lt3A_651 : i32 to vector<1x196xi32>
    %lt3A_653 = arith.cmpi slt, %add3A_650, %lt3A_652 : vector<1x196xi32>
    %and3A_654 = arith.andi %ge3A_647, %lt3A_653 : vector<1x196xi1>
    %convert_element_type3A_655 = arith.extui %and3A_654 : vector<1x196xi1> to vector<1x196xi32>
    %convert_element_type3A_656 = arith.sitofp %convert_element_type3A_655 : vector<1x196xi32> to vector<1x196xf32>
    %mul3A_657 = vector.broadcast %slice3A_641 : vector<2x1xf32> to vector<2x196xf32>
    %mul3A_658 = arith.mulf %slice3A_640, %mul3A_657 : vector<2x196xf32>
    %reduce_sum3A_659 = arith.constant dense<0.000000e+00> : vector<196xf32>
    %reduce_sum3A_660 = vector.multi_reduction <add>, %mul3A_658, %reduce_sum3A_659 [0] : vector<2x196xf32> to vector<196xf32>
    %broadcast_in_dim3A_661 = vector.shape_cast %reduce_sum3A_660 : vector<196xf32> to vector<1x196xf32>
    %mul3A_662 = arith.mulf %broadcast_in_dim3A_661, %convert_element_type3A_656 : vector<1x196xf32>
    %add3A_663 = arith.addf %add3A_639, %mul3A_662 : vector<1x196xf32>
    %slice3A_664 = vector.extract_strided_slice %concatenate3A_46 {offsets = [0, 46], sizes = [2, 196], strides = [1, 1]} : vector<2x286xf32> to vector<2x196xf32>
    %slice3A_665 = vector.extract_strided_slice %get3A_64 {offsets = [0, 25], sizes = [2, 1], strides = [1, 1]} : vector<2x49xf32> to vector<2x1xf32>
    %add3A_666 = arith.constant 1 : i32
    %add3A_667 = vector.broadcast %add3A_666 : i32 to vector<1x196xi32>
    %add3A_668 = arith.addi %select_n3A_61, %add3A_667 : vector<1x196xi32>
    %ge3A_669 = arith.constant 0 : i32
    %ge3A_670 = vector.broadcast %ge3A_669 : i32 to vector<1x196xi32>
    %ge3A_671 = arith.cmpi sge, %add3A_668, %ge3A_670 : vector<1x196xi32>
    %add3A_672 = arith.constant 1 : i32
    %add3A_673 = vector.broadcast %add3A_672 : i32 to vector<1x196xi32>
    %add3A_674 = arith.addi %select_n3A_61, %add3A_673 : vector<1x196xi32>
    %lt3A_675 = arith.constant 14 : i32
    %lt3A_676 = vector.broadcast %lt3A_675 : i32 to vector<1x196xi32>
    %lt3A_677 = arith.cmpi slt, %add3A_674, %lt3A_676 : vector<1x196xi32>
    %and3A_678 = arith.andi %ge3A_671, %lt3A_677 : vector<1x196xi1>
    %convert_element_type3A_679 = arith.extui %and3A_678 : vector<1x196xi1> to vector<1x196xi32>
    %convert_element_type3A_680 = arith.sitofp %convert_element_type3A_679 : vector<1x196xi32> to vector<1x196xf32>
    %mul3A_681 = vector.broadcast %slice3A_665 : vector<2x1xf32> to vector<2x196xf32>
    %mul3A_682 = arith.mulf %slice3A_664, %mul3A_681 : vector<2x196xf32>
    %reduce_sum3A_683 = arith.constant dense<0.000000e+00> : vector<196xf32>
    %reduce_sum3A_684 = vector.multi_reduction <add>, %mul3A_682, %reduce_sum3A_683 [0] : vector<2x196xf32> to vector<196xf32>
    %broadcast_in_dim3A_685 = vector.shape_cast %reduce_sum3A_684 : vector<196xf32> to vector<1x196xf32>
    %mul3A_686 = arith.mulf %broadcast_in_dim3A_685, %convert_element_type3A_680 : vector<1x196xf32>
    %add3A_687 = arith.addf %add3A_663, %mul3A_686 : vector<1x196xf32>
    %slice3A_688 = vector.extract_strided_slice %concatenate3A_46 {offsets = [0, 47], sizes = [2, 196], strides = [1, 1]} : vector<2x286xf32> to vector<2x196xf32>
    %slice3A_689 = vector.extract_strided_slice %get3A_64 {offsets = [0, 26], sizes = [2, 1], strides = [1, 1]} : vector<2x49xf32> to vector<2x1xf32>
    %add3A_690 = arith.constant 2 : i32
    %add3A_691 = vector.broadcast %add3A_690 : i32 to vector<1x196xi32>
    %add3A_692 = arith.addi %select_n3A_61, %add3A_691 : vector<1x196xi32>
    %ge3A_693 = arith.constant 0 : i32
    %ge3A_694 = vector.broadcast %ge3A_693 : i32 to vector<1x196xi32>
    %ge3A_695 = arith.cmpi sge, %add3A_692, %ge3A_694 : vector<1x196xi32>
    %add3A_696 = arith.constant 2 : i32
    %add3A_697 = vector.broadcast %add3A_696 : i32 to vector<1x196xi32>
    %add3A_698 = arith.addi %select_n3A_61, %add3A_697 : vector<1x196xi32>
    %lt3A_699 = arith.constant 14 : i32
    %lt3A_700 = vector.broadcast %lt3A_699 : i32 to vector<1x196xi32>
    %lt3A_701 = arith.cmpi slt, %add3A_698, %lt3A_700 : vector<1x196xi32>
    %and3A_702 = arith.andi %ge3A_695, %lt3A_701 : vector<1x196xi1>
    %convert_element_type3A_703 = arith.extui %and3A_702 : vector<1x196xi1> to vector<1x196xi32>
    %convert_element_type3A_704 = arith.sitofp %convert_element_type3A_703 : vector<1x196xi32> to vector<1x196xf32>
    %mul3A_705 = vector.broadcast %slice3A_689 : vector<2x1xf32> to vector<2x196xf32>
    %mul3A_706 = arith.mulf %slice3A_688, %mul3A_705 : vector<2x196xf32>
    %reduce_sum3A_707 = arith.constant dense<0.000000e+00> : vector<196xf32>
    %reduce_sum3A_708 = vector.multi_reduction <add>, %mul3A_706, %reduce_sum3A_707 [0] : vector<2x196xf32> to vector<196xf32>
    %broadcast_in_dim3A_709 = vector.shape_cast %reduce_sum3A_708 : vector<196xf32> to vector<1x196xf32>
    %mul3A_710 = arith.mulf %broadcast_in_dim3A_709, %convert_element_type3A_704 : vector<1x196xf32>
    %add3A_711 = arith.addf %add3A_687, %mul3A_710 : vector<1x196xf32>
    %slice3A_712 = vector.extract_strided_slice %concatenate3A_46 {offsets = [0, 48], sizes = [2, 196], strides = [1, 1]} : vector<2x286xf32> to vector<2x196xf32>
    %slice3A_713 = vector.extract_strided_slice %get3A_64 {offsets = [0, 27], sizes = [2, 1], strides = [1, 1]} : vector<2x49xf32> to vector<2x1xf32>
    %add3A_714 = arith.constant 3 : i32
    %add3A_715 = vector.broadcast %add3A_714 : i32 to vector<1x196xi32>
    %add3A_716 = arith.addi %select_n3A_61, %add3A_715 : vector<1x196xi32>
    %ge3A_717 = arith.constant 0 : i32
    %ge3A_718 = vector.broadcast %ge3A_717 : i32 to vector<1x196xi32>
    %ge3A_719 = arith.cmpi sge, %add3A_716, %ge3A_718 : vector<1x196xi32>
    %add3A_720 = arith.constant 3 : i32
    %add3A_721 = vector.broadcast %add3A_720 : i32 to vector<1x196xi32>
    %add3A_722 = arith.addi %select_n3A_61, %add3A_721 : vector<1x196xi32>
    %lt3A_723 = arith.constant 14 : i32
    %lt3A_724 = vector.broadcast %lt3A_723 : i32 to vector<1x196xi32>
    %lt3A_725 = arith.cmpi slt, %add3A_722, %lt3A_724 : vector<1x196xi32>
    %and3A_726 = arith.andi %ge3A_719, %lt3A_725 : vector<1x196xi1>
    %convert_element_type3A_727 = arith.extui %and3A_726 : vector<1x196xi1> to vector<1x196xi32>
    %convert_element_type3A_728 = arith.sitofp %convert_element_type3A_727 : vector<1x196xi32> to vector<1x196xf32>
    %mul3A_729 = vector.broadcast %slice3A_713 : vector<2x1xf32> to vector<2x196xf32>
    %mul3A_730 = arith.mulf %slice3A_712, %mul3A_729 : vector<2x196xf32>
    %reduce_sum3A_731 = arith.constant dense<0.000000e+00> : vector<196xf32>
    %reduce_sum3A_732 = vector.multi_reduction <add>, %mul3A_730, %reduce_sum3A_731 [0] : vector<2x196xf32> to vector<196xf32>
    %broadcast_in_dim3A_733 = vector.shape_cast %reduce_sum3A_732 : vector<196xf32> to vector<1x196xf32>
    %mul3A_734 = arith.mulf %broadcast_in_dim3A_733, %convert_element_type3A_728 : vector<1x196xf32>
    %add3A_735 = arith.addf %add3A_711, %mul3A_734 : vector<1x196xf32>
    %slice3A_736 = vector.extract_strided_slice %concatenate3A_46 {offsets = [0, 56], sizes = [2, 196], strides = [1, 1]} : vector<2x286xf32> to vector<2x196xf32>
    %slice3A_737 = vector.extract_strided_slice %get3A_64 {offsets = [0, 28], sizes = [2, 1], strides = [1, 1]} : vector<2x49xf32> to vector<2x1xf32>
    %add3A_738 = arith.constant -3 : i32
    %add3A_739 = vector.broadcast %add3A_738 : i32 to vector<1x196xi32>
    %add3A_740 = arith.addi %select_n3A_61, %add3A_739 : vector<1x196xi32>
    %ge3A_741 = arith.constant 0 : i32
    %ge3A_742 = vector.broadcast %ge3A_741 : i32 to vector<1x196xi32>
    %ge3A_743 = arith.cmpi sge, %add3A_740, %ge3A_742 : vector<1x196xi32>
    %add3A_744 = arith.constant -3 : i32
    %add3A_745 = vector.broadcast %add3A_744 : i32 to vector<1x196xi32>
    %add3A_746 = arith.addi %select_n3A_61, %add3A_745 : vector<1x196xi32>
    %lt3A_747 = arith.constant 14 : i32
    %lt3A_748 = vector.broadcast %lt3A_747 : i32 to vector<1x196xi32>
    %lt3A_749 = arith.cmpi slt, %add3A_746, %lt3A_748 : vector<1x196xi32>
    %and3A_750 = arith.andi %ge3A_743, %lt3A_749 : vector<1x196xi1>
    %convert_element_type3A_751 = arith.extui %and3A_750 : vector<1x196xi1> to vector<1x196xi32>
    %convert_element_type3A_752 = arith.sitofp %convert_element_type3A_751 : vector<1x196xi32> to vector<1x196xf32>
    %mul3A_753 = vector.broadcast %slice3A_737 : vector<2x1xf32> to vector<2x196xf32>
    %mul3A_754 = arith.mulf %slice3A_736, %mul3A_753 : vector<2x196xf32>
    %reduce_sum3A_755 = arith.constant dense<0.000000e+00> : vector<196xf32>
    %reduce_sum3A_756 = vector.multi_reduction <add>, %mul3A_754, %reduce_sum3A_755 [0] : vector<2x196xf32> to vector<196xf32>
    %broadcast_in_dim3A_757 = vector.shape_cast %reduce_sum3A_756 : vector<196xf32> to vector<1x196xf32>
    %mul3A_758 = arith.mulf %broadcast_in_dim3A_757, %convert_element_type3A_752 : vector<1x196xf32>
    %add3A_759 = arith.addf %add3A_735, %mul3A_758 : vector<1x196xf32>
    %slice3A_760 = vector.extract_strided_slice %concatenate3A_46 {offsets = [0, 57], sizes = [2, 196], strides = [1, 1]} : vector<2x286xf32> to vector<2x196xf32>
    %slice3A_761 = vector.extract_strided_slice %get3A_64 {offsets = [0, 29], sizes = [2, 1], strides = [1, 1]} : vector<2x49xf32> to vector<2x1xf32>
    %add3A_762 = arith.constant -2 : i32
    %add3A_763 = vector.broadcast %add3A_762 : i32 to vector<1x196xi32>
    %add3A_764 = arith.addi %select_n3A_61, %add3A_763 : vector<1x196xi32>
    %ge3A_765 = arith.constant 0 : i32
    %ge3A_766 = vector.broadcast %ge3A_765 : i32 to vector<1x196xi32>
    %ge3A_767 = arith.cmpi sge, %add3A_764, %ge3A_766 : vector<1x196xi32>
    %add3A_768 = arith.constant -2 : i32
    %add3A_769 = vector.broadcast %add3A_768 : i32 to vector<1x196xi32>
    %add3A_770 = arith.addi %select_n3A_61, %add3A_769 : vector<1x196xi32>
    %lt3A_771 = arith.constant 14 : i32
    %lt3A_772 = vector.broadcast %lt3A_771 : i32 to vector<1x196xi32>
    %lt3A_773 = arith.cmpi slt, %add3A_770, %lt3A_772 : vector<1x196xi32>
    %and3A_774 = arith.andi %ge3A_767, %lt3A_773 : vector<1x196xi1>
    %convert_element_type3A_775 = arith.extui %and3A_774 : vector<1x196xi1> to vector<1x196xi32>
    %convert_element_type3A_776 = arith.sitofp %convert_element_type3A_775 : vector<1x196xi32> to vector<1x196xf32>
    %mul3A_777 = vector.broadcast %slice3A_761 : vector<2x1xf32> to vector<2x196xf32>
    %mul3A_778 = arith.mulf %slice3A_760, %mul3A_777 : vector<2x196xf32>
    %reduce_sum3A_779 = arith.constant dense<0.000000e+00> : vector<196xf32>
    %reduce_sum3A_780 = vector.multi_reduction <add>, %mul3A_778, %reduce_sum3A_779 [0] : vector<2x196xf32> to vector<196xf32>
    %broadcast_in_dim3A_781 = vector.shape_cast %reduce_sum3A_780 : vector<196xf32> to vector<1x196xf32>
    %mul3A_782 = arith.mulf %broadcast_in_dim3A_781, %convert_element_type3A_776 : vector<1x196xf32>
    %add3A_783 = arith.addf %add3A_759, %mul3A_782 : vector<1x196xf32>
    %slice3A_784 = vector.extract_strided_slice %concatenate3A_46 {offsets = [0, 58], sizes = [2, 196], strides = [1, 1]} : vector<2x286xf32> to vector<2x196xf32>
    %slice3A_785 = vector.extract_strided_slice %get3A_64 {offsets = [0, 30], sizes = [2, 1], strides = [1, 1]} : vector<2x49xf32> to vector<2x1xf32>
    %add3A_786 = arith.constant -1 : i32
    %add3A_787 = vector.broadcast %add3A_786 : i32 to vector<1x196xi32>
    %add3A_788 = arith.addi %select_n3A_61, %add3A_787 : vector<1x196xi32>
    %ge3A_789 = arith.constant 0 : i32
    %ge3A_790 = vector.broadcast %ge3A_789 : i32 to vector<1x196xi32>
    %ge3A_791 = arith.cmpi sge, %add3A_788, %ge3A_790 : vector<1x196xi32>
    %add3A_792 = arith.constant -1 : i32
    %add3A_793 = vector.broadcast %add3A_792 : i32 to vector<1x196xi32>
    %add3A_794 = arith.addi %select_n3A_61, %add3A_793 : vector<1x196xi32>
    %lt3A_795 = arith.constant 14 : i32
    %lt3A_796 = vector.broadcast %lt3A_795 : i32 to vector<1x196xi32>
    %lt3A_797 = arith.cmpi slt, %add3A_794, %lt3A_796 : vector<1x196xi32>
    %and3A_798 = arith.andi %ge3A_791, %lt3A_797 : vector<1x196xi1>
    %convert_element_type3A_799 = arith.extui %and3A_798 : vector<1x196xi1> to vector<1x196xi32>
    %convert_element_type3A_800 = arith.sitofp %convert_element_type3A_799 : vector<1x196xi32> to vector<1x196xf32>
    %mul3A_801 = vector.broadcast %slice3A_785 : vector<2x1xf32> to vector<2x196xf32>
    %mul3A_802 = arith.mulf %slice3A_784, %mul3A_801 : vector<2x196xf32>
    %reduce_sum3A_803 = arith.constant dense<0.000000e+00> : vector<196xf32>
    %reduce_sum3A_804 = vector.multi_reduction <add>, %mul3A_802, %reduce_sum3A_803 [0] : vector<2x196xf32> to vector<196xf32>
    %broadcast_in_dim3A_805 = vector.shape_cast %reduce_sum3A_804 : vector<196xf32> to vector<1x196xf32>
    %mul3A_806 = arith.mulf %broadcast_in_dim3A_805, %convert_element_type3A_800 : vector<1x196xf32>
    %add3A_807 = arith.addf %add3A_783, %mul3A_806 : vector<1x196xf32>
    %slice3A_808 = vector.extract_strided_slice %concatenate3A_46 {offsets = [0, 59], sizes = [2, 196], strides = [1, 1]} : vector<2x286xf32> to vector<2x196xf32>
    %slice3A_809 = vector.extract_strided_slice %get3A_64 {offsets = [0, 31], sizes = [2, 1], strides = [1, 1]} : vector<2x49xf32> to vector<2x1xf32>
    %add3A_810 = arith.constant 0 : i32
    %add3A_811 = vector.broadcast %add3A_810 : i32 to vector<1x196xi32>
    %add3A_812 = arith.addi %select_n3A_61, %add3A_811 : vector<1x196xi32>
    %ge3A_813 = arith.constant 0 : i32
    %ge3A_814 = vector.broadcast %ge3A_813 : i32 to vector<1x196xi32>
    %ge3A_815 = arith.cmpi sge, %add3A_812, %ge3A_814 : vector<1x196xi32>
    %add3A_816 = arith.constant 0 : i32
    %add3A_817 = vector.broadcast %add3A_816 : i32 to vector<1x196xi32>
    %add3A_818 = arith.addi %select_n3A_61, %add3A_817 : vector<1x196xi32>
    %lt3A_819 = arith.constant 14 : i32
    %lt3A_820 = vector.broadcast %lt3A_819 : i32 to vector<1x196xi32>
    %lt3A_821 = arith.cmpi slt, %add3A_818, %lt3A_820 : vector<1x196xi32>
    %and3A_822 = arith.andi %ge3A_815, %lt3A_821 : vector<1x196xi1>
    %convert_element_type3A_823 = arith.extui %and3A_822 : vector<1x196xi1> to vector<1x196xi32>
    %convert_element_type3A_824 = arith.sitofp %convert_element_type3A_823 : vector<1x196xi32> to vector<1x196xf32>
    %mul3A_825 = vector.broadcast %slice3A_809 : vector<2x1xf32> to vector<2x196xf32>
    %mul3A_826 = arith.mulf %slice3A_808, %mul3A_825 : vector<2x196xf32>
    %reduce_sum3A_827 = arith.constant dense<0.000000e+00> : vector<196xf32>
    %reduce_sum3A_828 = vector.multi_reduction <add>, %mul3A_826, %reduce_sum3A_827 [0] : vector<2x196xf32> to vector<196xf32>
    %broadcast_in_dim3A_829 = vector.shape_cast %reduce_sum3A_828 : vector<196xf32> to vector<1x196xf32>
    %mul3A_830 = arith.mulf %broadcast_in_dim3A_829, %convert_element_type3A_824 : vector<1x196xf32>
    %add3A_831 = arith.addf %add3A_807, %mul3A_830 : vector<1x196xf32>
    %slice3A_832 = vector.extract_strided_slice %concatenate3A_46 {offsets = [0, 60], sizes = [2, 196], strides = [1, 1]} : vector<2x286xf32> to vector<2x196xf32>
    %slice3A_833 = vector.extract_strided_slice %get3A_64 {offsets = [0, 32], sizes = [2, 1], strides = [1, 1]} : vector<2x49xf32> to vector<2x1xf32>
    %add3A_834 = arith.constant 1 : i32
    %add3A_835 = vector.broadcast %add3A_834 : i32 to vector<1x196xi32>
    %add3A_836 = arith.addi %select_n3A_61, %add3A_835 : vector<1x196xi32>
    %ge3A_837 = arith.constant 0 : i32
    %ge3A_838 = vector.broadcast %ge3A_837 : i32 to vector<1x196xi32>
    %ge3A_839 = arith.cmpi sge, %add3A_836, %ge3A_838 : vector<1x196xi32>
    %add3A_840 = arith.constant 1 : i32
    %add3A_841 = vector.broadcast %add3A_840 : i32 to vector<1x196xi32>
    %add3A_842 = arith.addi %select_n3A_61, %add3A_841 : vector<1x196xi32>
    %lt3A_843 = arith.constant 14 : i32
    %lt3A_844 = vector.broadcast %lt3A_843 : i32 to vector<1x196xi32>
    %lt3A_845 = arith.cmpi slt, %add3A_842, %lt3A_844 : vector<1x196xi32>
    %and3A_846 = arith.andi %ge3A_839, %lt3A_845 : vector<1x196xi1>
    %convert_element_type3A_847 = arith.extui %and3A_846 : vector<1x196xi1> to vector<1x196xi32>
    %convert_element_type3A_848 = arith.sitofp %convert_element_type3A_847 : vector<1x196xi32> to vector<1x196xf32>
    %mul3A_849 = vector.broadcast %slice3A_833 : vector<2x1xf32> to vector<2x196xf32>
    %mul3A_850 = arith.mulf %slice3A_832, %mul3A_849 : vector<2x196xf32>
    %reduce_sum3A_851 = arith.constant dense<0.000000e+00> : vector<196xf32>
    %reduce_sum3A_852 = vector.multi_reduction <add>, %mul3A_850, %reduce_sum3A_851 [0] : vector<2x196xf32> to vector<196xf32>
    %broadcast_in_dim3A_853 = vector.shape_cast %reduce_sum3A_852 : vector<196xf32> to vector<1x196xf32>
    %mul3A_854 = arith.mulf %broadcast_in_dim3A_853, %convert_element_type3A_848 : vector<1x196xf32>
    %add3A_855 = arith.addf %add3A_831, %mul3A_854 : vector<1x196xf32>
    %slice3A_856 = vector.extract_strided_slice %concatenate3A_46 {offsets = [0, 61], sizes = [2, 196], strides = [1, 1]} : vector<2x286xf32> to vector<2x196xf32>
    %slice3A_857 = vector.extract_strided_slice %get3A_64 {offsets = [0, 33], sizes = [2, 1], strides = [1, 1]} : vector<2x49xf32> to vector<2x1xf32>
    %add3A_858 = arith.constant 2 : i32
    %add3A_859 = vector.broadcast %add3A_858 : i32 to vector<1x196xi32>
    %add3A_860 = arith.addi %select_n3A_61, %add3A_859 : vector<1x196xi32>
    %ge3A_861 = arith.constant 0 : i32
    %ge3A_862 = vector.broadcast %ge3A_861 : i32 to vector<1x196xi32>
    %ge3A_863 = arith.cmpi sge, %add3A_860, %ge3A_862 : vector<1x196xi32>
    %add3A_864 = arith.constant 2 : i32
    %add3A_865 = vector.broadcast %add3A_864 : i32 to vector<1x196xi32>
    %add3A_866 = arith.addi %select_n3A_61, %add3A_865 : vector<1x196xi32>
    %lt3A_867 = arith.constant 14 : i32
    %lt3A_868 = vector.broadcast %lt3A_867 : i32 to vector<1x196xi32>
    %lt3A_869 = arith.cmpi slt, %add3A_866, %lt3A_868 : vector<1x196xi32>
    %and3A_870 = arith.andi %ge3A_863, %lt3A_869 : vector<1x196xi1>
    %convert_element_type3A_871 = arith.extui %and3A_870 : vector<1x196xi1> to vector<1x196xi32>
    %convert_element_type3A_872 = arith.sitofp %convert_element_type3A_871 : vector<1x196xi32> to vector<1x196xf32>
    %mul3A_873 = vector.broadcast %slice3A_857 : vector<2x1xf32> to vector<2x196xf32>
    %mul3A_874 = arith.mulf %slice3A_856, %mul3A_873 : vector<2x196xf32>
    %reduce_sum3A_875 = arith.constant dense<0.000000e+00> : vector<196xf32>
    %reduce_sum3A_876 = vector.multi_reduction <add>, %mul3A_874, %reduce_sum3A_875 [0] : vector<2x196xf32> to vector<196xf32>
    %broadcast_in_dim3A_877 = vector.shape_cast %reduce_sum3A_876 : vector<196xf32> to vector<1x196xf32>
    %mul3A_878 = arith.mulf %broadcast_in_dim3A_877, %convert_element_type3A_872 : vector<1x196xf32>
    %add3A_879 = arith.addf %add3A_855, %mul3A_878 : vector<1x196xf32>
    %slice3A_880 = vector.extract_strided_slice %concatenate3A_46 {offsets = [0, 62], sizes = [2, 196], strides = [1, 1]} : vector<2x286xf32> to vector<2x196xf32>
    %slice3A_881 = vector.extract_strided_slice %get3A_64 {offsets = [0, 34], sizes = [2, 1], strides = [1, 1]} : vector<2x49xf32> to vector<2x1xf32>
    %add3A_882 = arith.constant 3 : i32
    %add3A_883 = vector.broadcast %add3A_882 : i32 to vector<1x196xi32>
    %add3A_884 = arith.addi %select_n3A_61, %add3A_883 : vector<1x196xi32>
    %ge3A_885 = arith.constant 0 : i32
    %ge3A_886 = vector.broadcast %ge3A_885 : i32 to vector<1x196xi32>
    %ge3A_887 = arith.cmpi sge, %add3A_884, %ge3A_886 : vector<1x196xi32>
    %add3A_888 = arith.constant 3 : i32
    %add3A_889 = vector.broadcast %add3A_888 : i32 to vector<1x196xi32>
    %add3A_890 = arith.addi %select_n3A_61, %add3A_889 : vector<1x196xi32>
    %lt3A_891 = arith.constant 14 : i32
    %lt3A_892 = vector.broadcast %lt3A_891 : i32 to vector<1x196xi32>
    %lt3A_893 = arith.cmpi slt, %add3A_890, %lt3A_892 : vector<1x196xi32>
    %and3A_894 = arith.andi %ge3A_887, %lt3A_893 : vector<1x196xi1>
    %convert_element_type3A_895 = arith.extui %and3A_894 : vector<1x196xi1> to vector<1x196xi32>
    %convert_element_type3A_896 = arith.sitofp %convert_element_type3A_895 : vector<1x196xi32> to vector<1x196xf32>
    %mul3A_897 = vector.broadcast %slice3A_881 : vector<2x1xf32> to vector<2x196xf32>
    %mul3A_898 = arith.mulf %slice3A_880, %mul3A_897 : vector<2x196xf32>
    %reduce_sum3A_899 = arith.constant dense<0.000000e+00> : vector<196xf32>
    %reduce_sum3A_900 = vector.multi_reduction <add>, %mul3A_898, %reduce_sum3A_899 [0] : vector<2x196xf32> to vector<196xf32>
    %broadcast_in_dim3A_901 = vector.shape_cast %reduce_sum3A_900 : vector<196xf32> to vector<1x196xf32>
    %mul3A_902 = arith.mulf %broadcast_in_dim3A_901, %convert_element_type3A_896 : vector<1x196xf32>
    %add3A_903 = arith.addf %add3A_879, %mul3A_902 : vector<1x196xf32>
    %slice3A_904 = vector.extract_strided_slice %concatenate3A_46 {offsets = [0, 70], sizes = [2, 196], strides = [1, 1]} : vector<2x286xf32> to vector<2x196xf32>
    %slice3A_905 = vector.extract_strided_slice %get3A_64 {offsets = [0, 35], sizes = [2, 1], strides = [1, 1]} : vector<2x49xf32> to vector<2x1xf32>
    %add3A_906 = arith.constant -3 : i32
    %add3A_907 = vector.broadcast %add3A_906 : i32 to vector<1x196xi32>
    %add3A_908 = arith.addi %select_n3A_61, %add3A_907 : vector<1x196xi32>
    %ge3A_909 = arith.constant 0 : i32
    %ge3A_910 = vector.broadcast %ge3A_909 : i32 to vector<1x196xi32>
    %ge3A_911 = arith.cmpi sge, %add3A_908, %ge3A_910 : vector<1x196xi32>
    %add3A_912 = arith.constant -3 : i32
    %add3A_913 = vector.broadcast %add3A_912 : i32 to vector<1x196xi32>
    %add3A_914 = arith.addi %select_n3A_61, %add3A_913 : vector<1x196xi32>
    %lt3A_915 = arith.constant 14 : i32
    %lt3A_916 = vector.broadcast %lt3A_915 : i32 to vector<1x196xi32>
    %lt3A_917 = arith.cmpi slt, %add3A_914, %lt3A_916 : vector<1x196xi32>
    %and3A_918 = arith.andi %ge3A_911, %lt3A_917 : vector<1x196xi1>
    %convert_element_type3A_919 = arith.extui %and3A_918 : vector<1x196xi1> to vector<1x196xi32>
    %convert_element_type3A_920 = arith.sitofp %convert_element_type3A_919 : vector<1x196xi32> to vector<1x196xf32>
    %mul3A_921 = vector.broadcast %slice3A_905 : vector<2x1xf32> to vector<2x196xf32>
    %mul3A_922 = arith.mulf %slice3A_904, %mul3A_921 : vector<2x196xf32>
    %reduce_sum3A_923 = arith.constant dense<0.000000e+00> : vector<196xf32>
    %reduce_sum3A_924 = vector.multi_reduction <add>, %mul3A_922, %reduce_sum3A_923 [0] : vector<2x196xf32> to vector<196xf32>
    %broadcast_in_dim3A_925 = vector.shape_cast %reduce_sum3A_924 : vector<196xf32> to vector<1x196xf32>
    %mul3A_926 = arith.mulf %broadcast_in_dim3A_925, %convert_element_type3A_920 : vector<1x196xf32>
    %add3A_927 = arith.addf %add3A_903, %mul3A_926 : vector<1x196xf32>
    %slice3A_928 = vector.extract_strided_slice %concatenate3A_46 {offsets = [0, 71], sizes = [2, 196], strides = [1, 1]} : vector<2x286xf32> to vector<2x196xf32>
    %slice3A_929 = vector.extract_strided_slice %get3A_64 {offsets = [0, 36], sizes = [2, 1], strides = [1, 1]} : vector<2x49xf32> to vector<2x1xf32>
    %add3A_930 = arith.constant -2 : i32
    %add3A_931 = vector.broadcast %add3A_930 : i32 to vector<1x196xi32>
    %add3A_932 = arith.addi %select_n3A_61, %add3A_931 : vector<1x196xi32>
    %ge3A_933 = arith.constant 0 : i32
    %ge3A_934 = vector.broadcast %ge3A_933 : i32 to vector<1x196xi32>
    %ge3A_935 = arith.cmpi sge, %add3A_932, %ge3A_934 : vector<1x196xi32>
    %add3A_936 = arith.constant -2 : i32
    %add3A_937 = vector.broadcast %add3A_936 : i32 to vector<1x196xi32>
    %add3A_938 = arith.addi %select_n3A_61, %add3A_937 : vector<1x196xi32>
    %lt3A_939 = arith.constant 14 : i32
    %lt3A_940 = vector.broadcast %lt3A_939 : i32 to vector<1x196xi32>
    %lt3A_941 = arith.cmpi slt, %add3A_938, %lt3A_940 : vector<1x196xi32>
    %and3A_942 = arith.andi %ge3A_935, %lt3A_941 : vector<1x196xi1>
    %convert_element_type3A_943 = arith.extui %and3A_942 : vector<1x196xi1> to vector<1x196xi32>
    %convert_element_type3A_944 = arith.sitofp %convert_element_type3A_943 : vector<1x196xi32> to vector<1x196xf32>
    %mul3A_945 = vector.broadcast %slice3A_929 : vector<2x1xf32> to vector<2x196xf32>
    %mul3A_946 = arith.mulf %slice3A_928, %mul3A_945 : vector<2x196xf32>
    %reduce_sum3A_947 = arith.constant dense<0.000000e+00> : vector<196xf32>
    %reduce_sum3A_948 = vector.multi_reduction <add>, %mul3A_946, %reduce_sum3A_947 [0] : vector<2x196xf32> to vector<196xf32>
    %broadcast_in_dim3A_949 = vector.shape_cast %reduce_sum3A_948 : vector<196xf32> to vector<1x196xf32>
    %mul3A_950 = arith.mulf %broadcast_in_dim3A_949, %convert_element_type3A_944 : vector<1x196xf32>
    %add3A_951 = arith.addf %add3A_927, %mul3A_950 : vector<1x196xf32>
    %slice3A_952 = vector.extract_strided_slice %concatenate3A_46 {offsets = [0, 72], sizes = [2, 196], strides = [1, 1]} : vector<2x286xf32> to vector<2x196xf32>
    %slice3A_953 = vector.extract_strided_slice %get3A_64 {offsets = [0, 37], sizes = [2, 1], strides = [1, 1]} : vector<2x49xf32> to vector<2x1xf32>
    %add3A_954 = arith.constant -1 : i32
    %add3A_955 = vector.broadcast %add3A_954 : i32 to vector<1x196xi32>
    %add3A_956 = arith.addi %select_n3A_61, %add3A_955 : vector<1x196xi32>
    %ge3A_957 = arith.constant 0 : i32
    %ge3A_958 = vector.broadcast %ge3A_957 : i32 to vector<1x196xi32>
    %ge3A_959 = arith.cmpi sge, %add3A_956, %ge3A_958 : vector<1x196xi32>
    %add3A_960 = arith.constant -1 : i32
    %add3A_961 = vector.broadcast %add3A_960 : i32 to vector<1x196xi32>
    %add3A_962 = arith.addi %select_n3A_61, %add3A_961 : vector<1x196xi32>
    %lt3A_963 = arith.constant 14 : i32
    %lt3A_964 = vector.broadcast %lt3A_963 : i32 to vector<1x196xi32>
    %lt3A_965 = arith.cmpi slt, %add3A_962, %lt3A_964 : vector<1x196xi32>
    %and3A_966 = arith.andi %ge3A_959, %lt3A_965 : vector<1x196xi1>
    %convert_element_type3A_967 = arith.extui %and3A_966 : vector<1x196xi1> to vector<1x196xi32>
    %convert_element_type3A_968 = arith.sitofp %convert_element_type3A_967 : vector<1x196xi32> to vector<1x196xf32>
    %mul3A_969 = vector.broadcast %slice3A_953 : vector<2x1xf32> to vector<2x196xf32>
    %mul3A_970 = arith.mulf %slice3A_952, %mul3A_969 : vector<2x196xf32>
    %reduce_sum3A_971 = arith.constant dense<0.000000e+00> : vector<196xf32>
    %reduce_sum3A_972 = vector.multi_reduction <add>, %mul3A_970, %reduce_sum3A_971 [0] : vector<2x196xf32> to vector<196xf32>
    %broadcast_in_dim3A_973 = vector.shape_cast %reduce_sum3A_972 : vector<196xf32> to vector<1x196xf32>
    %mul3A_974 = arith.mulf %broadcast_in_dim3A_973, %convert_element_type3A_968 : vector<1x196xf32>
    %add3A_975 = arith.addf %add3A_951, %mul3A_974 : vector<1x196xf32>
    %slice3A_976 = vector.extract_strided_slice %concatenate3A_46 {offsets = [0, 73], sizes = [2, 196], strides = [1, 1]} : vector<2x286xf32> to vector<2x196xf32>
    %slice3A_977 = vector.extract_strided_slice %get3A_64 {offsets = [0, 38], sizes = [2, 1], strides = [1, 1]} : vector<2x49xf32> to vector<2x1xf32>
    %add3A_978 = arith.constant 0 : i32
    %add3A_979 = vector.broadcast %add3A_978 : i32 to vector<1x196xi32>
    %add3A_980 = arith.addi %select_n3A_61, %add3A_979 : vector<1x196xi32>
    %ge3A_981 = arith.constant 0 : i32
    %ge3A_982 = vector.broadcast %ge3A_981 : i32 to vector<1x196xi32>
    %ge3A_983 = arith.cmpi sge, %add3A_980, %ge3A_982 : vector<1x196xi32>
    %add3A_984 = arith.constant 0 : i32
    %add3A_985 = vector.broadcast %add3A_984 : i32 to vector<1x196xi32>
    %add3A_986 = arith.addi %select_n3A_61, %add3A_985 : vector<1x196xi32>
    %lt3A_987 = arith.constant 14 : i32
    %lt3A_988 = vector.broadcast %lt3A_987 : i32 to vector<1x196xi32>
    %lt3A_989 = arith.cmpi slt, %add3A_986, %lt3A_988 : vector<1x196xi32>
    %and3A_990 = arith.andi %ge3A_983, %lt3A_989 : vector<1x196xi1>
    %convert_element_type3A_991 = arith.extui %and3A_990 : vector<1x196xi1> to vector<1x196xi32>
    %convert_element_type3A_992 = arith.sitofp %convert_element_type3A_991 : vector<1x196xi32> to vector<1x196xf32>
    %mul3A_993 = vector.broadcast %slice3A_977 : vector<2x1xf32> to vector<2x196xf32>
    %mul3A_994 = arith.mulf %slice3A_976, %mul3A_993 : vector<2x196xf32>
    %reduce_sum3A_995 = arith.constant dense<0.000000e+00> : vector<196xf32>
    %reduce_sum3A_996 = vector.multi_reduction <add>, %mul3A_994, %reduce_sum3A_995 [0] : vector<2x196xf32> to vector<196xf32>
    %broadcast_in_dim3A_997 = vector.shape_cast %reduce_sum3A_996 : vector<196xf32> to vector<1x196xf32>
    %mul3A_998 = arith.mulf %broadcast_in_dim3A_997, %convert_element_type3A_992 : vector<1x196xf32>
    %add3A_999 = arith.addf %add3A_975, %mul3A_998 : vector<1x196xf32>
    %slice3A_1000 = vector.extract_strided_slice %concatenate3A_46 {offsets = [0, 74], sizes = [2, 196], strides = [1, 1]} : vector<2x286xf32> to vector<2x196xf32>
    %slice3A_1001 = vector.extract_strided_slice %get3A_64 {offsets = [0, 39], sizes = [2, 1], strides = [1, 1]} : vector<2x49xf32> to vector<2x1xf32>
    %add3A_1002 = arith.constant 1 : i32
    %add3A_1003 = vector.broadcast %add3A_1002 : i32 to vector<1x196xi32>
    %add3A_1004 = arith.addi %select_n3A_61, %add3A_1003 : vector<1x196xi32>
    %ge3A_1005 = arith.constant 0 : i32
    %ge3A_1006 = vector.broadcast %ge3A_1005 : i32 to vector<1x196xi32>
    %ge3A_1007 = arith.cmpi sge, %add3A_1004, %ge3A_1006 : vector<1x196xi32>
    %add3A_1008 = arith.constant 1 : i32
    %add3A_1009 = vector.broadcast %add3A_1008 : i32 to vector<1x196xi32>
    %add3A_1010 = arith.addi %select_n3A_61, %add3A_1009 : vector<1x196xi32>
    %lt3A_1011 = arith.constant 14 : i32
    %lt3A_1012 = vector.broadcast %lt3A_1011 : i32 to vector<1x196xi32>
    %lt3A_1013 = arith.cmpi slt, %add3A_1010, %lt3A_1012 : vector<1x196xi32>
    %and3A_1014 = arith.andi %ge3A_1007, %lt3A_1013 : vector<1x196xi1>
    %convert_element_type3A_1015 = arith.extui %and3A_1014 : vector<1x196xi1> to vector<1x196xi32>
    %convert_element_type3A_1016 = arith.sitofp %convert_element_type3A_1015 : vector<1x196xi32> to vector<1x196xf32>
    %mul3A_1017 = vector.broadcast %slice3A_1001 : vector<2x1xf32> to vector<2x196xf32>
    %mul3A_1018 = arith.mulf %slice3A_1000, %mul3A_1017 : vector<2x196xf32>
    %reduce_sum3A_1019 = arith.constant dense<0.000000e+00> : vector<196xf32>
    %reduce_sum3A_1020 = vector.multi_reduction <add>, %mul3A_1018, %reduce_sum3A_1019 [0] : vector<2x196xf32> to vector<196xf32>
    %broadcast_in_dim3A_1021 = vector.shape_cast %reduce_sum3A_1020 : vector<196xf32> to vector<1x196xf32>
    %mul3A_1022 = arith.mulf %broadcast_in_dim3A_1021, %convert_element_type3A_1016 : vector<1x196xf32>
    %add3A_1023 = arith.addf %add3A_999, %mul3A_1022 : vector<1x196xf32>
    %slice3A_1024 = vector.extract_strided_slice %concatenate3A_46 {offsets = [0, 75], sizes = [2, 196], strides = [1, 1]} : vector<2x286xf32> to vector<2x196xf32>
    %slice3A_1025 = vector.extract_strided_slice %get3A_64 {offsets = [0, 40], sizes = [2, 1], strides = [1, 1]} : vector<2x49xf32> to vector<2x1xf32>
    %add3A_1026 = arith.constant 2 : i32
    %add3A_1027 = vector.broadcast %add3A_1026 : i32 to vector<1x196xi32>
    %add3A_1028 = arith.addi %select_n3A_61, %add3A_1027 : vector<1x196xi32>
    %ge3A_1029 = arith.constant 0 : i32
    %ge3A_1030 = vector.broadcast %ge3A_1029 : i32 to vector<1x196xi32>
    %ge3A_1031 = arith.cmpi sge, %add3A_1028, %ge3A_1030 : vector<1x196xi32>
    %add3A_1032 = arith.constant 2 : i32
    %add3A_1033 = vector.broadcast %add3A_1032 : i32 to vector<1x196xi32>
    %add3A_1034 = arith.addi %select_n3A_61, %add3A_1033 : vector<1x196xi32>
    %lt3A_1035 = arith.constant 14 : i32
    %lt3A_1036 = vector.broadcast %lt3A_1035 : i32 to vector<1x196xi32>
    %lt3A_1037 = arith.cmpi slt, %add3A_1034, %lt3A_1036 : vector<1x196xi32>
    %and3A_1038 = arith.andi %ge3A_1031, %lt3A_1037 : vector<1x196xi1>
    %convert_element_type3A_1039 = arith.extui %and3A_1038 : vector<1x196xi1> to vector<1x196xi32>
    %convert_element_type3A_1040 = arith.sitofp %convert_element_type3A_1039 : vector<1x196xi32> to vector<1x196xf32>
    %mul3A_1041 = vector.broadcast %slice3A_1025 : vector<2x1xf32> to vector<2x196xf32>
    %mul3A_1042 = arith.mulf %slice3A_1024, %mul3A_1041 : vector<2x196xf32>
    %reduce_sum3A_1043 = arith.constant dense<0.000000e+00> : vector<196xf32>
    %reduce_sum3A_1044 = vector.multi_reduction <add>, %mul3A_1042, %reduce_sum3A_1043 [0] : vector<2x196xf32> to vector<196xf32>
    %broadcast_in_dim3A_1045 = vector.shape_cast %reduce_sum3A_1044 : vector<196xf32> to vector<1x196xf32>
    %mul3A_1046 = arith.mulf %broadcast_in_dim3A_1045, %convert_element_type3A_1040 : vector<1x196xf32>
    %add3A_1047 = arith.addf %add3A_1023, %mul3A_1046 : vector<1x196xf32>
    %slice3A_1048 = vector.extract_strided_slice %concatenate3A_46 {offsets = [0, 76], sizes = [2, 196], strides = [1, 1]} : vector<2x286xf32> to vector<2x196xf32>
    %slice3A_1049 = vector.extract_strided_slice %get3A_64 {offsets = [0, 41], sizes = [2, 1], strides = [1, 1]} : vector<2x49xf32> to vector<2x1xf32>
    %add3A_1050 = arith.constant 3 : i32
    %add3A_1051 = vector.broadcast %add3A_1050 : i32 to vector<1x196xi32>
    %add3A_1052 = arith.addi %select_n3A_61, %add3A_1051 : vector<1x196xi32>
    %ge3A_1053 = arith.constant 0 : i32
    %ge3A_1054 = vector.broadcast %ge3A_1053 : i32 to vector<1x196xi32>
    %ge3A_1055 = arith.cmpi sge, %add3A_1052, %ge3A_1054 : vector<1x196xi32>
    %add3A_1056 = arith.constant 3 : i32
    %add3A_1057 = vector.broadcast %add3A_1056 : i32 to vector<1x196xi32>
    %add3A_1058 = arith.addi %select_n3A_61, %add3A_1057 : vector<1x196xi32>
    %lt3A_1059 = arith.constant 14 : i32
    %lt3A_1060 = vector.broadcast %lt3A_1059 : i32 to vector<1x196xi32>
    %lt3A_1061 = arith.cmpi slt, %add3A_1058, %lt3A_1060 : vector<1x196xi32>
    %and3A_1062 = arith.andi %ge3A_1055, %lt3A_1061 : vector<1x196xi1>
    %convert_element_type3A_1063 = arith.extui %and3A_1062 : vector<1x196xi1> to vector<1x196xi32>
    %convert_element_type3A_1064 = arith.sitofp %convert_element_type3A_1063 : vector<1x196xi32> to vector<1x196xf32>
    %mul3A_1065 = vector.broadcast %slice3A_1049 : vector<2x1xf32> to vector<2x196xf32>
    %mul3A_1066 = arith.mulf %slice3A_1048, %mul3A_1065 : vector<2x196xf32>
    %reduce_sum3A_1067 = arith.constant dense<0.000000e+00> : vector<196xf32>
    %reduce_sum3A_1068 = vector.multi_reduction <add>, %mul3A_1066, %reduce_sum3A_1067 [0] : vector<2x196xf32> to vector<196xf32>
    %broadcast_in_dim3A_1069 = vector.shape_cast %reduce_sum3A_1068 : vector<196xf32> to vector<1x196xf32>
    %mul3A_1070 = arith.mulf %broadcast_in_dim3A_1069, %convert_element_type3A_1064 : vector<1x196xf32>
    %add3A_1071 = arith.addf %add3A_1047, %mul3A_1070 : vector<1x196xf32>
    %slice3A_1072 = vector.extract_strided_slice %concatenate3A_46 {offsets = [0, 84], sizes = [2, 196], strides = [1, 1]} : vector<2x286xf32> to vector<2x196xf32>
    %slice3A_1073 = vector.extract_strided_slice %get3A_64 {offsets = [0, 42], sizes = [2, 1], strides = [1, 1]} : vector<2x49xf32> to vector<2x1xf32>
    %add3A_1074 = arith.constant -3 : i32
    %add3A_1075 = vector.broadcast %add3A_1074 : i32 to vector<1x196xi32>
    %add3A_1076 = arith.addi %select_n3A_61, %add3A_1075 : vector<1x196xi32>
    %ge3A_1077 = arith.constant 0 : i32
    %ge3A_1078 = vector.broadcast %ge3A_1077 : i32 to vector<1x196xi32>
    %ge3A_1079 = arith.cmpi sge, %add3A_1076, %ge3A_1078 : vector<1x196xi32>
    %add3A_1080 = arith.constant -3 : i32
    %add3A_1081 = vector.broadcast %add3A_1080 : i32 to vector<1x196xi32>
    %add3A_1082 = arith.addi %select_n3A_61, %add3A_1081 : vector<1x196xi32>
    %lt3A_1083 = arith.constant 14 : i32
    %lt3A_1084 = vector.broadcast %lt3A_1083 : i32 to vector<1x196xi32>
    %lt3A_1085 = arith.cmpi slt, %add3A_1082, %lt3A_1084 : vector<1x196xi32>
    %and3A_1086 = arith.andi %ge3A_1079, %lt3A_1085 : vector<1x196xi1>
    %convert_element_type3A_1087 = arith.extui %and3A_1086 : vector<1x196xi1> to vector<1x196xi32>
    %convert_element_type3A_1088 = arith.sitofp %convert_element_type3A_1087 : vector<1x196xi32> to vector<1x196xf32>
    %mul3A_1089 = vector.broadcast %slice3A_1073 : vector<2x1xf32> to vector<2x196xf32>
    %mul3A_1090 = arith.mulf %slice3A_1072, %mul3A_1089 : vector<2x196xf32>
    %reduce_sum3A_1091 = arith.constant dense<0.000000e+00> : vector<196xf32>
    %reduce_sum3A_1092 = vector.multi_reduction <add>, %mul3A_1090, %reduce_sum3A_1091 [0] : vector<2x196xf32> to vector<196xf32>
    %broadcast_in_dim3A_1093 = vector.shape_cast %reduce_sum3A_1092 : vector<196xf32> to vector<1x196xf32>
    %mul3A_1094 = arith.mulf %broadcast_in_dim3A_1093, %convert_element_type3A_1088 : vector<1x196xf32>
    %add3A_1095 = arith.addf %add3A_1071, %mul3A_1094 : vector<1x196xf32>
    %slice3A_1096 = vector.extract_strided_slice %concatenate3A_46 {offsets = [0, 85], sizes = [2, 196], strides = [1, 1]} : vector<2x286xf32> to vector<2x196xf32>
    %slice3A_1097 = vector.extract_strided_slice %get3A_64 {offsets = [0, 43], sizes = [2, 1], strides = [1, 1]} : vector<2x49xf32> to vector<2x1xf32>
    %add3A_1098 = arith.constant -2 : i32
    %add3A_1099 = vector.broadcast %add3A_1098 : i32 to vector<1x196xi32>
    %add3A_1100 = arith.addi %select_n3A_61, %add3A_1099 : vector<1x196xi32>
    %ge3A_1101 = arith.constant 0 : i32
    %ge3A_1102 = vector.broadcast %ge3A_1101 : i32 to vector<1x196xi32>
    %ge3A_1103 = arith.cmpi sge, %add3A_1100, %ge3A_1102 : vector<1x196xi32>
    %add3A_1104 = arith.constant -2 : i32
    %add3A_1105 = vector.broadcast %add3A_1104 : i32 to vector<1x196xi32>
    %add3A_1106 = arith.addi %select_n3A_61, %add3A_1105 : vector<1x196xi32>
    %lt3A_1107 = arith.constant 14 : i32
    %lt3A_1108 = vector.broadcast %lt3A_1107 : i32 to vector<1x196xi32>
    %lt3A_1109 = arith.cmpi slt, %add3A_1106, %lt3A_1108 : vector<1x196xi32>
    %and3A_1110 = arith.andi %ge3A_1103, %lt3A_1109 : vector<1x196xi1>
    %convert_element_type3A_1111 = arith.extui %and3A_1110 : vector<1x196xi1> to vector<1x196xi32>
    %convert_element_type3A_1112 = arith.sitofp %convert_element_type3A_1111 : vector<1x196xi32> to vector<1x196xf32>
    %mul3A_1113 = vector.broadcast %slice3A_1097 : vector<2x1xf32> to vector<2x196xf32>
    %mul3A_1114 = arith.mulf %slice3A_1096, %mul3A_1113 : vector<2x196xf32>
    %reduce_sum3A_1115 = arith.constant dense<0.000000e+00> : vector<196xf32>
    %reduce_sum3A_1116 = vector.multi_reduction <add>, %mul3A_1114, %reduce_sum3A_1115 [0] : vector<2x196xf32> to vector<196xf32>
    %broadcast_in_dim3A_1117 = vector.shape_cast %reduce_sum3A_1116 : vector<196xf32> to vector<1x196xf32>
    %mul3A_1118 = arith.mulf %broadcast_in_dim3A_1117, %convert_element_type3A_1112 : vector<1x196xf32>
    %add3A_1119 = arith.addf %add3A_1095, %mul3A_1118 : vector<1x196xf32>
    %slice3A_1120 = vector.extract_strided_slice %concatenate3A_46 {offsets = [0, 86], sizes = [2, 196], strides = [1, 1]} : vector<2x286xf32> to vector<2x196xf32>
    %slice3A_1121 = vector.extract_strided_slice %get3A_64 {offsets = [0, 44], sizes = [2, 1], strides = [1, 1]} : vector<2x49xf32> to vector<2x1xf32>
    %add3A_1122 = arith.constant -1 : i32
    %add3A_1123 = vector.broadcast %add3A_1122 : i32 to vector<1x196xi32>
    %add3A_1124 = arith.addi %select_n3A_61, %add3A_1123 : vector<1x196xi32>
    %ge3A_1125 = arith.constant 0 : i32
    %ge3A_1126 = vector.broadcast %ge3A_1125 : i32 to vector<1x196xi32>
    %ge3A_1127 = arith.cmpi sge, %add3A_1124, %ge3A_1126 : vector<1x196xi32>
    %add3A_1128 = arith.constant -1 : i32
    %add3A_1129 = vector.broadcast %add3A_1128 : i32 to vector<1x196xi32>
    %add3A_1130 = arith.addi %select_n3A_61, %add3A_1129 : vector<1x196xi32>
    %lt3A_1131 = arith.constant 14 : i32
    %lt3A_1132 = vector.broadcast %lt3A_1131 : i32 to vector<1x196xi32>
    %lt3A_1133 = arith.cmpi slt, %add3A_1130, %lt3A_1132 : vector<1x196xi32>
    %and3A_1134 = arith.andi %ge3A_1127, %lt3A_1133 : vector<1x196xi1>
    %convert_element_type3A_1135 = arith.extui %and3A_1134 : vector<1x196xi1> to vector<1x196xi32>
    %convert_element_type3A_1136 = arith.sitofp %convert_element_type3A_1135 : vector<1x196xi32> to vector<1x196xf32>
    %mul3A_1137 = vector.broadcast %slice3A_1121 : vector<2x1xf32> to vector<2x196xf32>
    %mul3A_1138 = arith.mulf %slice3A_1120, %mul3A_1137 : vector<2x196xf32>
    %reduce_sum3A_1139 = arith.constant dense<0.000000e+00> : vector<196xf32>
    %reduce_sum3A_1140 = vector.multi_reduction <add>, %mul3A_1138, %reduce_sum3A_1139 [0] : vector<2x196xf32> to vector<196xf32>
    %broadcast_in_dim3A_1141 = vector.shape_cast %reduce_sum3A_1140 : vector<196xf32> to vector<1x196xf32>
    %mul3A_1142 = arith.mulf %broadcast_in_dim3A_1141, %convert_element_type3A_1136 : vector<1x196xf32>
    %add3A_1143 = arith.addf %add3A_1119, %mul3A_1142 : vector<1x196xf32>
    %slice3A_1144 = vector.extract_strided_slice %concatenate3A_46 {offsets = [0, 87], sizes = [2, 196], strides = [1, 1]} : vector<2x286xf32> to vector<2x196xf32>
    %slice3A_1145 = vector.extract_strided_slice %get3A_64 {offsets = [0, 45], sizes = [2, 1], strides = [1, 1]} : vector<2x49xf32> to vector<2x1xf32>
    %add3A_1146 = arith.constant 0 : i32
    %add3A_1147 = vector.broadcast %add3A_1146 : i32 to vector<1x196xi32>
    %add3A_1148 = arith.addi %select_n3A_61, %add3A_1147 : vector<1x196xi32>
    %ge3A_1149 = arith.constant 0 : i32
    %ge3A_1150 = vector.broadcast %ge3A_1149 : i32 to vector<1x196xi32>
    %ge3A_1151 = arith.cmpi sge, %add3A_1148, %ge3A_1150 : vector<1x196xi32>
    %add3A_1152 = arith.constant 0 : i32
    %add3A_1153 = vector.broadcast %add3A_1152 : i32 to vector<1x196xi32>
    %add3A_1154 = arith.addi %select_n3A_61, %add3A_1153 : vector<1x196xi32>
    %lt3A_1155 = arith.constant 14 : i32
    %lt3A_1156 = vector.broadcast %lt3A_1155 : i32 to vector<1x196xi32>
    %lt3A_1157 = arith.cmpi slt, %add3A_1154, %lt3A_1156 : vector<1x196xi32>
    %and3A_1158 = arith.andi %ge3A_1151, %lt3A_1157 : vector<1x196xi1>
    %convert_element_type3A_1159 = arith.extui %and3A_1158 : vector<1x196xi1> to vector<1x196xi32>
    %convert_element_type3A_1160 = arith.sitofp %convert_element_type3A_1159 : vector<1x196xi32> to vector<1x196xf32>
    %mul3A_1161 = vector.broadcast %slice3A_1145 : vector<2x1xf32> to vector<2x196xf32>
    %mul3A_1162 = arith.mulf %slice3A_1144, %mul3A_1161 : vector<2x196xf32>
    %reduce_sum3A_1163 = arith.constant dense<0.000000e+00> : vector<196xf32>
    %reduce_sum3A_1164 = vector.multi_reduction <add>, %mul3A_1162, %reduce_sum3A_1163 [0] : vector<2x196xf32> to vector<196xf32>
    %broadcast_in_dim3A_1165 = vector.shape_cast %reduce_sum3A_1164 : vector<196xf32> to vector<1x196xf32>
    %mul3A_1166 = arith.mulf %broadcast_in_dim3A_1165, %convert_element_type3A_1160 : vector<1x196xf32>
    %add3A_1167 = arith.addf %add3A_1143, %mul3A_1166 : vector<1x196xf32>
    %slice3A_1168 = vector.extract_strided_slice %concatenate3A_46 {offsets = [0, 88], sizes = [2, 196], strides = [1, 1]} : vector<2x286xf32> to vector<2x196xf32>
    %slice3A_1169 = vector.extract_strided_slice %get3A_64 {offsets = [0, 46], sizes = [2, 1], strides = [1, 1]} : vector<2x49xf32> to vector<2x1xf32>
    %add3A_1170 = arith.constant 1 : i32
    %add3A_1171 = vector.broadcast %add3A_1170 : i32 to vector<1x196xi32>
    %add3A_1172 = arith.addi %select_n3A_61, %add3A_1171 : vector<1x196xi32>
    %ge3A_1173 = arith.constant 0 : i32
    %ge3A_1174 = vector.broadcast %ge3A_1173 : i32 to vector<1x196xi32>
    %ge3A_1175 = arith.cmpi sge, %add3A_1172, %ge3A_1174 : vector<1x196xi32>
    %add3A_1176 = arith.constant 1 : i32
    %add3A_1177 = vector.broadcast %add3A_1176 : i32 to vector<1x196xi32>
    %add3A_1178 = arith.addi %select_n3A_61, %add3A_1177 : vector<1x196xi32>
    %lt3A_1179 = arith.constant 14 : i32
    %lt3A_1180 = vector.broadcast %lt3A_1179 : i32 to vector<1x196xi32>
    %lt3A_1181 = arith.cmpi slt, %add3A_1178, %lt3A_1180 : vector<1x196xi32>
    %and3A_1182 = arith.andi %ge3A_1175, %lt3A_1181 : vector<1x196xi1>
    %convert_element_type3A_1183 = arith.extui %and3A_1182 : vector<1x196xi1> to vector<1x196xi32>
    %convert_element_type3A_1184 = arith.sitofp %convert_element_type3A_1183 : vector<1x196xi32> to vector<1x196xf32>
    %mul3A_1185 = vector.broadcast %slice3A_1169 : vector<2x1xf32> to vector<2x196xf32>
    %mul3A_1186 = arith.mulf %slice3A_1168, %mul3A_1185 : vector<2x196xf32>
    %reduce_sum3A_1187 = arith.constant dense<0.000000e+00> : vector<196xf32>
    %reduce_sum3A_1188 = vector.multi_reduction <add>, %mul3A_1186, %reduce_sum3A_1187 [0] : vector<2x196xf32> to vector<196xf32>
    %broadcast_in_dim3A_1189 = vector.shape_cast %reduce_sum3A_1188 : vector<196xf32> to vector<1x196xf32>
    %mul3A_1190 = arith.mulf %broadcast_in_dim3A_1189, %convert_element_type3A_1184 : vector<1x196xf32>
    %add3A_1191 = arith.addf %add3A_1167, %mul3A_1190 : vector<1x196xf32>
    %slice3A_1192 = vector.extract_strided_slice %concatenate3A_46 {offsets = [0, 89], sizes = [2, 196], strides = [1, 1]} : vector<2x286xf32> to vector<2x196xf32>
    %slice3A_1193 = vector.extract_strided_slice %get3A_64 {offsets = [0, 47], sizes = [2, 1], strides = [1, 1]} : vector<2x49xf32> to vector<2x1xf32>
    %add3A_1194 = arith.constant 2 : i32
    %add3A_1195 = vector.broadcast %add3A_1194 : i32 to vector<1x196xi32>
    %add3A_1196 = arith.addi %select_n3A_61, %add3A_1195 : vector<1x196xi32>
    %ge3A_1197 = arith.constant 0 : i32
    %ge3A_1198 = vector.broadcast %ge3A_1197 : i32 to vector<1x196xi32>
    %ge3A_1199 = arith.cmpi sge, %add3A_1196, %ge3A_1198 : vector<1x196xi32>
    %add3A_1200 = arith.constant 2 : i32
    %add3A_1201 = vector.broadcast %add3A_1200 : i32 to vector<1x196xi32>
    %add3A_1202 = arith.addi %select_n3A_61, %add3A_1201 : vector<1x196xi32>
    %lt3A_1203 = arith.constant 14 : i32
    %lt3A_1204 = vector.broadcast %lt3A_1203 : i32 to vector<1x196xi32>
    %lt3A_1205 = arith.cmpi slt, %add3A_1202, %lt3A_1204 : vector<1x196xi32>
    %and3A_1206 = arith.andi %ge3A_1199, %lt3A_1205 : vector<1x196xi1>
    %convert_element_type3A_1207 = arith.extui %and3A_1206 : vector<1x196xi1> to vector<1x196xi32>
    %convert_element_type3A_1208 = arith.sitofp %convert_element_type3A_1207 : vector<1x196xi32> to vector<1x196xf32>
    %mul3A_1209 = vector.broadcast %slice3A_1193 : vector<2x1xf32> to vector<2x196xf32>
    %mul3A_1210 = arith.mulf %slice3A_1192, %mul3A_1209 : vector<2x196xf32>
    %reduce_sum3A_1211 = arith.constant dense<0.000000e+00> : vector<196xf32>
    %reduce_sum3A_1212 = vector.multi_reduction <add>, %mul3A_1210, %reduce_sum3A_1211 [0] : vector<2x196xf32> to vector<196xf32>
    %broadcast_in_dim3A_1213 = vector.shape_cast %reduce_sum3A_1212 : vector<196xf32> to vector<1x196xf32>
    %mul3A_1214 = arith.mulf %broadcast_in_dim3A_1213, %convert_element_type3A_1208 : vector<1x196xf32>
    %add3A_1215 = arith.addf %add3A_1191, %mul3A_1214 : vector<1x196xf32>
    %slice3A_1216 = vector.extract_strided_slice %concatenate3A_46 {offsets = [0, 90], sizes = [2, 196], strides = [1, 1]} : vector<2x286xf32> to vector<2x196xf32>
    %slice3A_1217 = vector.extract_strided_slice %get3A_64 {offsets = [0, 48], sizes = [2, 1], strides = [1, 1]} : vector<2x49xf32> to vector<2x1xf32>
    %add3A_1218 = arith.constant 3 : i32
    %add3A_1219 = vector.broadcast %add3A_1218 : i32 to vector<1x196xi32>
    %add3A_1220 = arith.addi %select_n3A_61, %add3A_1219 : vector<1x196xi32>
    %ge3A_1221 = arith.constant 0 : i32
    %ge3A_1222 = vector.broadcast %ge3A_1221 : i32 to vector<1x196xi32>
    %ge3A_1223 = arith.cmpi sge, %add3A_1220, %ge3A_1222 : vector<1x196xi32>
    %add3A_1224 = arith.constant 3 : i32
    %add3A_1225 = vector.broadcast %add3A_1224 : i32 to vector<1x196xi32>
    %add3A_1226 = arith.addi %select_n3A_61, %add3A_1225 : vector<1x196xi32>
    %lt3A_1227 = arith.constant 14 : i32
    %lt3A_1228 = vector.broadcast %lt3A_1227 : i32 to vector<1x196xi32>
    %lt3A_1229 = arith.cmpi slt, %add3A_1226, %lt3A_1228 : vector<1x196xi32>
    %and3A_1230 = arith.andi %ge3A_1223, %lt3A_1229 : vector<1x196xi1>
    %convert_element_type3A_1231 = arith.extui %and3A_1230 : vector<1x196xi1> to vector<1x196xi32>
    %convert_element_type3A_1232 = arith.sitofp %convert_element_type3A_1231 : vector<1x196xi32> to vector<1x196xf32>
    %mul3A_1233 = vector.broadcast %slice3A_1217 : vector<2x1xf32> to vector<2x196xf32>
    %mul3A_1234 = arith.mulf %slice3A_1216, %mul3A_1233 : vector<2x196xf32>
    %reduce_sum3A_1235 = arith.constant dense<0.000000e+00> : vector<196xf32>
    %reduce_sum3A_1236 = vector.multi_reduction <add>, %mul3A_1234, %reduce_sum3A_1235 [0] : vector<2x196xf32> to vector<196xf32>
    %broadcast_in_dim3A_1237 = vector.shape_cast %reduce_sum3A_1236 : vector<196xf32> to vector<1x196xf32>
    %mul3A_1238 = arith.mulf %broadcast_in_dim3A_1237, %convert_element_type3A_1232 : vector<1x196xf32>
    %add3A_1239 = arith.addf %add3A_1215, %mul3A_1238 : vector<1x196xf32>
    %get3A_1240 = arith.constant 0 : index
    %get3A_1241 = arith.constant 0 : index
    %get3A_1242 = vector.load %arg7[%get3A_1240, %get3A_1241] : memref<1x1xf32, #tpu.memory_space<vmem>>, vector<1x1xf32>
    %add3A_1243 = vector.broadcast %get3A_1242 : vector<1x1xf32> to vector<1x196xf32>
    %add3A_1244 = arith.addf %add3A_1239, %add3A_1243 : vector<1x196xf32>
    %logistic3A_1245 = arith.negf %add3A_1244 : vector<1x196xf32>
    %logistic3A_1246 = math.exp %logistic3A_1245 : vector<1x196xf32>
    %logistic3A_1247 = arith.constant 1.000000e+00 : f32
    %logistic3A_1248 = vector.broadcast %logistic3A_1247 : f32 to vector<1x196xf32>
    %logistic3A_1249 = arith.addf %logistic3A_1248, %logistic3A_1246 : vector<1x196xf32>
    %logistic3A_1250 = arith.divf %logistic3A_1248, %logistic3A_1249 : vector<1x196xf32>
    %mul3A_1251 = vector.broadcast %logistic3A_1250 : vector<1x196xf32> to vector<384x196xf32>
    %mul3A_1252 = arith.mulf %mul3A_32, %mul3A_1251 : vector<384x196xf32>
    %reduce_max3A_1253 = arith.constant dense<0xFF800000> : vector<384xf32>
    %reduce_max3A_1254 = vector.multi_reduction <maximumf>, %mul3A_1252, %reduce_max3A_1253 [1] : vector<384x196xf32> to vector<384xf32>
    %broadcast_in_dim3A_1255 = vector.shape_cast %reduce_max3A_1254 : vector<384xf32> to vector<384x1xf32>
    %sub3A = vector.broadcast %broadcast_in_dim3A_1255 : vector<384x1xf32> to vector<384x196xf32>
    %sub3A_1256 = arith.subf %mul3A_1252, %sub3A : vector<384x196xf32>
    %exp3A = math.exp %sub3A_1256 : vector<384x196xf32>
    %reduce_sum3A_1257 = arith.constant dense<0.000000e+00> : vector<384xf32>
    %reduce_sum3A_1258 = vector.multi_reduction <add>, %exp3A, %reduce_sum3A_1257 [1] : vector<384x196xf32> to vector<384xf32>
    %broadcast_in_dim3A_1259 = vector.shape_cast %reduce_sum3A_1258 : vector<384xf32> to vector<384x1xf32>
    %div3A_1260 = vector.broadcast %broadcast_in_dim3A_1259 : vector<384x1xf32> to vector<384x196xf32>
    %div3A_1261 = arith.divf %exp3A, %div3A_1260 : vector<384x196xf32>
    %reduce_max3A_1262 = arith.constant dense<0xFF800000> : vector<384xf32>
    %reduce_max3A_1263 = vector.multi_reduction <maximumf>, %div3A_1261, %reduce_max3A_1262 [1] : vector<384x196xf32> to vector<384xf32>
    %broadcast_in_dim3A_1264 = vector.shape_cast %reduce_max3A_1263 : vector<384xf32> to vector<384x1xf32>
    %add3A_1265 = arith.constant 1.000000e-10 : f32
    %add3A_1266 = vector.broadcast %add3A_1265 : f32 to vector<384x1xf32>
    %add3A_1267 = arith.addf %broadcast_in_dim3A_1264, %add3A_1266 : vector<384x1xf32>
    %div3A_1268 = vector.broadcast %add3A_1267 : vector<384x1xf32> to vector<384x196xf32>
    %div3A_1269 = arith.divf %div3A_1261, %div3A_1268 : vector<384x196xf32>
    %mul3A_1270 = arith.constant 2.000000e+00 : f32
    %mul3A_1271 = vector.broadcast %mul3A_1270 : f32 to vector<384x196xf32>
    %mul3A_1272 = arith.mulf %mul3A_1271, %div3A_1269 : vector<384x196xf32>
    %sub3A_1273 = arith.constant 1.000000e+00 : f32
    %sub3A_1274 = vector.broadcast %sub3A_1273 : f32 to vector<384x196xf32>
    %sub3A_1275 = arith.subf %mul3A_1272, %sub3A_1274 : vector<384x196xf32>
    %div3A_1276 = arith.constant 4.000000e+01 : f32
    %div3A_1277 = vector.broadcast %div3A_1276 : f32 to vector<384x196xf32>
    %div3A_1278 = arith.divf %sub3A_1275, %div3A_1277 : vector<384x196xf32>
    %add3A_1279 = arith.constant 1.000000e+00 : f32
    %add3A_1280 = vector.broadcast %add3A_1279 : f32 to vector<384x196xf32>
    %add3A_1281 = arith.addf %div3A_1278, %add3A_1280 : vector<384x196xf32>
    %mul3A_1282 = arith.mulf %get3A_3, %add3A_1281 : vector<384x196xf32>
    %mul3A_1283 = arith.mulf %get3A_3, %get3A_3 : vector<384x196xf32>
    %reduce_sum3A_1284 = arith.constant dense<0.000000e+00> : vector<196xf32>
    %reduce_sum3A_1285 = vector.multi_reduction <add>, %mul3A_1283, %reduce_sum3A_1284 [0] : vector<384x196xf32> to vector<196xf32>
    %broadcast_in_dim3A_1286 = vector.shape_cast %reduce_sum3A_1285 : vector<196xf32> to vector<1x196xf32>
    %sqrt3A = math.sqrt %broadcast_in_dim3A_1286 : vector<1x196xf32>
    %add3A_1287 = arith.constant 9.99999996E-13 : f32
    %add3A_1288 = vector.broadcast %add3A_1287 : f32 to vector<1x196xf32>
    %add3A_1289 = arith.addf %sqrt3A, %add3A_1288 : vector<1x196xf32>
    %div3A_1290 = vector.broadcast %add3A_1289 : vector<1x196xf32> to vector<384x196xf32>
    %div3A_1291 = arith.divf %get3A_3, %div3A_1290 : vector<384x196xf32>
    %transpose3A = tpu.transpose %div3A_1291, [1, 0] : vector<384x196xf32> -> vector<196x384xf32>
    %mul3A_1292 = arith.mulf %transpose3A, %transpose3A : vector<196x384xf32>
    %reduce_sum3A_1293 = arith.constant dense<0.000000e+00> : vector<196xf32>
    %reduce_sum3A_1294 = vector.multi_reduction <add>, %mul3A_1292, %reduce_sum3A_1293 [1] : vector<196x384xf32> to vector<196xf32>
    %broadcast_in_dim3A_1295 = vector.shape_cast %reduce_sum3A_1294 : vector<196xf32> to vector<196x1xf32>
    %dot_general3A_1296 = arith.constant dense<0.000000e+00> : vector<196x196xf32>
    %dot_general3A_1297 = tpu.matmul %transpose3A, %div3A_1291, %dot_general3A_1296 {dimension_numbers = #tpu.dot_dimension_numbers<[1], [0], [0], [1], [0, 0, 1, 1], [], []>, transpose_lhs_hint = false} : vector<196x384xf32>, vector<384x196xf32>, vector<196x196xf32> -> vector<196x196xf32>
    %mul3A_1298 = arith.constant 2.000000e+00 : f32
    %mul3A_1299 = vector.broadcast %mul3A_1298 : f32 to vector<196x196xf32>
    %mul3A_1300 = arith.mulf %mul3A_1299, %dot_general3A_1297 : vector<196x196xf32>
    %sub3A_1301 = vector.broadcast %broadcast_in_dim3A_1295 : vector<196x1xf32> to vector<196x196xf32>
    %sub3A_1302 = arith.subf %mul3A_1300, %sub3A_1301 : vector<196x196xf32>
    %transpose3A_1303 = tpu.transpose %broadcast_in_dim3A_1295, [1, 0] : vector<196x1xf32> -> vector<1x196xf32>
    %sub3A_1304 = vector.broadcast %transpose3A_1303 : vector<1x196xf32> to vector<196x196xf32>
    %sub3A_1305 = arith.subf %sub3A_1302, %sub3A_1304 : vector<196x196xf32>
    %iota3A_1306 = tpu.iota {dimensions = array<i32: 1>} : vector<196x196xi32>
    %reduce_max3A_1307 = arith.constant dense<0xFF800000> : vector<196xf32>
    %reduce_max3A_1308 = vector.multi_reduction <maximumf>, %sub3A_1305, %reduce_max3A_1307 [1] : vector<196x196xf32> to vector<196xf32>
    %broadcast_in_dim3A_1309 = vector.shape_cast %reduce_max3A_1308 : vector<196xf32> to vector<196x1xf32>
    %eq3A_1310 = vector.broadcast %broadcast_in_dim3A_1309 : vector<196x1xf32> to vector<196x196xf32>
    %eq3A_1311 = arith.cmpf oeq, %sub3A_1305, %eq3A_1310 : vector<196x196xf32>
    %jit3A_1312 = arith.constant 196 : i32
    %broadcast_in_dim3A_1313 = vector.broadcast %jit3A_1312 : i32 to vector<196x196xi32>
    %select_n3A_1314 = arith.select %eq3A_1311, %iota3A_1306, %broadcast_in_dim3A_1313 : vector<196x196xi1>, vector<196x196xi32>
    %reduce_min3A = arith.constant dense<2147483647> : vector<196xi32>
    %reduce_min3A_1315 = vector.multi_reduction <minsi>, %select_n3A_1314, %reduce_min3A [1] : vector<196x196xi32> to vector<196xi32>
    %broadcast_in_dim3A_1316 = vector.shape_cast %reduce_min3A_1315 : vector<196xi32> to vector<196x1xi32>
    %transpose3A_1317 = tpu.transpose %broadcast_in_dim3A_1316, [1, 0] : vector<196x1xi32> -> vector<1x196xi32>
    %eq3A_1318 = vector.broadcast %broadcast_in_dim3A_1316 : vector<196x1xi32> to vector<196x196xi32>
    %eq3A_1319 = arith.cmpi eq, %iota3A_1306, %eq3A_1318 : vector<196x196xi32>
    %jit3A_1320 = arith.constant 0xFF800000 : f32
    %broadcast_in_dim3A_1321 = vector.broadcast %jit3A_1320 : f32 to vector<196x196xf32>
    %select_n3A_1322 = arith.select %eq3A_1319, %broadcast_in_dim3A_1321, %sub3A_1305 : vector<196x196xi1>, vector<196x196xf32>
    %reduce_max3A_1323 = arith.constant dense<0xFF800000> : vector<196xf32>
    %reduce_max3A_1324 = vector.multi_reduction <maximumf>, %select_n3A_1322, %reduce_max3A_1323 [1] : vector<196x196xf32> to vector<196xf32>
    %broadcast_in_dim3A_1325 = vector.shape_cast %reduce_max3A_1324 : vector<196xf32> to vector<196x1xf32>
    %eq3A_1326 = vector.broadcast %broadcast_in_dim3A_1325 : vector<196x1xf32> to vector<196x196xf32>
    %eq3A_1327 = arith.cmpf oeq, %select_n3A_1322, %eq3A_1326 : vector<196x196xf32>
    %jit3A_1328 = arith.constant 196 : i32
    %broadcast_in_dim3A_1329 = vector.broadcast %jit3A_1328 : i32 to vector<196x196xi32>
    %select_n3A_1330 = arith.select %eq3A_1327, %iota3A_1306, %broadcast_in_dim3A_1329 : vector<196x196xi1>, vector<196x196xi32>
    %reduce_min3A_1331 = arith.constant dense<2147483647> : vector<196xi32>
    %reduce_min3A_1332 = vector.multi_reduction <minsi>, %select_n3A_1330, %reduce_min3A_1331 [1] : vector<196x196xi32> to vector<196xi32>
    %broadcast_in_dim3A_1333 = vector.shape_cast %reduce_min3A_1332 : vector<196xi32> to vector<196x1xi32>
    %transpose3A_1334 = tpu.transpose %broadcast_in_dim3A_1333, [1, 0] : vector<196x1xi32> -> vector<1x196xi32>
    %eq3A_1335 = vector.broadcast %broadcast_in_dim3A_1333 : vector<196x1xi32> to vector<196x196xi32>
    %eq3A_1336 = arith.cmpi eq, %iota3A_1306, %eq3A_1335 : vector<196x196xi32>
    %jit3A_1337 = arith.constant 0xFF800000 : f32
    %broadcast_in_dim3A_1338 = vector.broadcast %jit3A_1337 : f32 to vector<196x196xf32>
    %select_n3A_1339 = arith.select %eq3A_1336, %broadcast_in_dim3A_1338, %select_n3A_1322 : vector<196x196xi1>, vector<196x196xf32>
    %reduce_max3A_1340 = arith.constant dense<0xFF800000> : vector<196xf32>
    %reduce_max3A_1341 = vector.multi_reduction <maximumf>, %select_n3A_1339, %reduce_max3A_1340 [1] : vector<196x196xf32> to vector<196xf32>
    %broadcast_in_dim3A_1342 = vector.shape_cast %reduce_max3A_1341 : vector<196xf32> to vector<196x1xf32>
    %eq3A_1343 = vector.broadcast %broadcast_in_dim3A_1342 : vector<196x1xf32> to vector<196x196xf32>
    %eq3A_1344 = arith.cmpf oeq, %select_n3A_1339, %eq3A_1343 : vector<196x196xf32>
    %jit3A_1345 = arith.constant 196 : i32
    %broadcast_in_dim3A_1346 = vector.broadcast %jit3A_1345 : i32 to vector<196x196xi32>
    %select_n3A_1347 = arith.select %eq3A_1344, %iota3A_1306, %broadcast_in_dim3A_1346 : vector<196x196xi1>, vector<196x196xi32>
    %reduce_min3A_1348 = arith.constant dense<2147483647> : vector<196xi32>
    %reduce_min3A_1349 = vector.multi_reduction <minsi>, %select_n3A_1347, %reduce_min3A_1348 [1] : vector<196x196xi32> to vector<196xi32>
    %broadcast_in_dim3A_1350 = vector.shape_cast %reduce_min3A_1349 : vector<196xi32> to vector<196x1xi32>
    %transpose3A_1351 = tpu.transpose %broadcast_in_dim3A_1350, [1, 0] : vector<196x1xi32> -> vector<1x196xi32>
    %eq3A_1352 = vector.broadcast %broadcast_in_dim3A_1350 : vector<196x1xi32> to vector<196x196xi32>
    %eq3A_1353 = arith.cmpi eq, %iota3A_1306, %eq3A_1352 : vector<196x196xi32>
    %jit3A_1354 = arith.constant 0xFF800000 : f32
    %broadcast_in_dim3A_1355 = vector.broadcast %jit3A_1354 : f32 to vector<196x196xf32>
    %select_n3A_1356 = arith.select %eq3A_1353, %broadcast_in_dim3A_1355, %select_n3A_1339 : vector<196x196xi1>, vector<196x196xf32>
    %reduce_max3A_1357 = arith.constant dense<0xFF800000> : vector<196xf32>
    %reduce_max3A_1358 = vector.multi_reduction <maximumf>, %select_n3A_1356, %reduce_max3A_1357 [1] : vector<196x196xf32> to vector<196xf32>
    %broadcast_in_dim3A_1359 = vector.shape_cast %reduce_max3A_1358 : vector<196xf32> to vector<196x1xf32>
    %eq3A_1360 = vector.broadcast %broadcast_in_dim3A_1359 : vector<196x1xf32> to vector<196x196xf32>
    %eq3A_1361 = arith.cmpf oeq, %select_n3A_1356, %eq3A_1360 : vector<196x196xf32>
    %jit3A_1362 = arith.constant 196 : i32
    %broadcast_in_dim3A_1363 = vector.broadcast %jit3A_1362 : i32 to vector<196x196xi32>
    %select_n3A_1364 = arith.select %eq3A_1361, %iota3A_1306, %broadcast_in_dim3A_1363 : vector<196x196xi1>, vector<196x196xi32>
    %reduce_min3A_1365 = arith.constant dense<2147483647> : vector<196xi32>
    %reduce_min3A_1366 = vector.multi_reduction <minsi>, %select_n3A_1364, %reduce_min3A_1365 [1] : vector<196x196xi32> to vector<196xi32>
    %broadcast_in_dim3A_1367 = vector.shape_cast %reduce_min3A_1366 : vector<196xi32> to vector<196x1xi32>
    %transpose3A_1368 = tpu.transpose %broadcast_in_dim3A_1367, [1, 0] : vector<196x1xi32> -> vector<1x196xi32>
    %eq3A_1369 = vector.broadcast %broadcast_in_dim3A_1367 : vector<196x1xi32> to vector<196x196xi32>
    %eq3A_1370 = arith.cmpi eq, %iota3A_1306, %eq3A_1369 : vector<196x196xi32>
    %jit3A_1371 = arith.constant 0xFF800000 : f32
    %broadcast_in_dim3A_1372 = vector.broadcast %jit3A_1371 : f32 to vector<196x196xf32>
    %select_n3A_1373 = arith.select %eq3A_1370, %broadcast_in_dim3A_1372, %select_n3A_1356 : vector<196x196xi1>, vector<196x196xf32>
    %reduce_max3A_1374 = arith.constant dense<0xFF800000> : vector<196xf32>
    %reduce_max3A_1375 = vector.multi_reduction <maximumf>, %select_n3A_1373, %reduce_max3A_1374 [1] : vector<196x196xf32> to vector<196xf32>
    %broadcast_in_dim3A_1376 = vector.shape_cast %reduce_max3A_1375 : vector<196xf32> to vector<196x1xf32>
    %eq3A_1377 = vector.broadcast %broadcast_in_dim3A_1376 : vector<196x1xf32> to vector<196x196xf32>
    %eq3A_1378 = arith.cmpf oeq, %select_n3A_1373, %eq3A_1377 : vector<196x196xf32>
    %jit3A_1379 = arith.constant 196 : i32
    %broadcast_in_dim3A_1380 = vector.broadcast %jit3A_1379 : i32 to vector<196x196xi32>
    %select_n3A_1381 = arith.select %eq3A_1378, %iota3A_1306, %broadcast_in_dim3A_1380 : vector<196x196xi1>, vector<196x196xi32>
    %reduce_min3A_1382 = arith.constant dense<2147483647> : vector<196xi32>
    %reduce_min3A_1383 = vector.multi_reduction <minsi>, %select_n3A_1381, %reduce_min3A_1382 [1] : vector<196x196xi32> to vector<196xi32>
    %broadcast_in_dim3A_1384 = vector.shape_cast %reduce_min3A_1383 : vector<196xi32> to vector<196x1xi32>
    %transpose3A_1385 = tpu.transpose %broadcast_in_dim3A_1384, [1, 0] : vector<196x1xi32> -> vector<1x196xi32>
    %eq3A_1386 = vector.broadcast %broadcast_in_dim3A_1384 : vector<196x1xi32> to vector<196x196xi32>
    %eq3A_1387 = arith.cmpi eq, %iota3A_1306, %eq3A_1386 : vector<196x196xi32>
    %jit3A_1388 = arith.constant 0xFF800000 : f32
    %broadcast_in_dim3A_1389 = vector.broadcast %jit3A_1388 : f32 to vector<196x196xf32>
    %select_n3A_1390 = arith.select %eq3A_1387, %broadcast_in_dim3A_1389, %select_n3A_1373 : vector<196x196xi1>, vector<196x196xf32>
    %reduce_max3A_1391 = arith.constant dense<0xFF800000> : vector<196xf32>
    %reduce_max3A_1392 = vector.multi_reduction <maximumf>, %select_n3A_1390, %reduce_max3A_1391 [1] : vector<196x196xf32> to vector<196xf32>
    %broadcast_in_dim3A_1393 = vector.shape_cast %reduce_max3A_1392 : vector<196xf32> to vector<196x1xf32>
    %eq3A_1394 = vector.broadcast %broadcast_in_dim3A_1393 : vector<196x1xf32> to vector<196x196xf32>
    %eq3A_1395 = arith.cmpf oeq, %select_n3A_1390, %eq3A_1394 : vector<196x196xf32>
    %jit3A_1396 = arith.constant 196 : i32
    %broadcast_in_dim3A_1397 = vector.broadcast %jit3A_1396 : i32 to vector<196x196xi32>
    %select_n3A_1398 = arith.select %eq3A_1395, %iota3A_1306, %broadcast_in_dim3A_1397 : vector<196x196xi1>, vector<196x196xi32>
    %reduce_min3A_1399 = arith.constant dense<2147483647> : vector<196xi32>
    %reduce_min3A_1400 = vector.multi_reduction <minsi>, %select_n3A_1398, %reduce_min3A_1399 [1] : vector<196x196xi32> to vector<196xi32>
    %broadcast_in_dim3A_1401 = vector.shape_cast %reduce_min3A_1400 : vector<196xi32> to vector<196x1xi32>
    %transpose3A_1402 = tpu.transpose %broadcast_in_dim3A_1401, [1, 0] : vector<196x1xi32> -> vector<1x196xi32>
    %eq3A_1403 = vector.broadcast %broadcast_in_dim3A_1401 : vector<196x1xi32> to vector<196x196xi32>
    %eq3A_1404 = arith.cmpi eq, %iota3A_1306, %eq3A_1403 : vector<196x196xi32>
    %jit3A_1405 = arith.constant 0xFF800000 : f32
    %broadcast_in_dim3A_1406 = vector.broadcast %jit3A_1405 : f32 to vector<196x196xf32>
    %select_n3A_1407 = arith.select %eq3A_1404, %broadcast_in_dim3A_1406, %select_n3A_1390 : vector<196x196xi1>, vector<196x196xf32>
    %reduce_max3A_1408 = arith.constant dense<0xFF800000> : vector<196xf32>
    %reduce_max3A_1409 = vector.multi_reduction <maximumf>, %select_n3A_1407, %reduce_max3A_1408 [1] : vector<196x196xf32> to vector<196xf32>
    %broadcast_in_dim3A_1410 = vector.shape_cast %reduce_max3A_1409 : vector<196xf32> to vector<196x1xf32>
    %eq3A_1411 = vector.broadcast %broadcast_in_dim3A_1410 : vector<196x1xf32> to vector<196x196xf32>
    %eq3A_1412 = arith.cmpf oeq, %select_n3A_1407, %eq3A_1411 : vector<196x196xf32>
    %jit3A_1413 = arith.constant 196 : i32
    %broadcast_in_dim3A_1414 = vector.broadcast %jit3A_1413 : i32 to vector<196x196xi32>
    %select_n3A_1415 = arith.select %eq3A_1412, %iota3A_1306, %broadcast_in_dim3A_1414 : vector<196x196xi1>, vector<196x196xi32>
    %reduce_min3A_1416 = arith.constant dense<2147483647> : vector<196xi32>
    %reduce_min3A_1417 = vector.multi_reduction <minsi>, %select_n3A_1415, %reduce_min3A_1416 [1] : vector<196x196xi32> to vector<196xi32>
    %broadcast_in_dim3A_1418 = vector.shape_cast %reduce_min3A_1417 : vector<196xi32> to vector<196x1xi32>
    %transpose3A_1419 = tpu.transpose %broadcast_in_dim3A_1418, [1, 0] : vector<196x1xi32> -> vector<1x196xi32>
    %eq3A_1420 = vector.broadcast %broadcast_in_dim3A_1418 : vector<196x1xi32> to vector<196x196xi32>
    %eq3A_1421 = arith.cmpi eq, %iota3A_1306, %eq3A_1420 : vector<196x196xi32>
    %jit3A_1422 = arith.constant 0xFF800000 : f32
    %broadcast_in_dim3A_1423 = vector.broadcast %jit3A_1422 : f32 to vector<196x196xf32>
    %select_n3A_1424 = arith.select %eq3A_1421, %broadcast_in_dim3A_1423, %select_n3A_1407 : vector<196x196xi1>, vector<196x196xf32>
    %reduce_max3A_1425 = arith.constant dense<0xFF800000> : vector<196xf32>
    %reduce_max3A_1426 = vector.multi_reduction <maximumf>, %select_n3A_1424, %reduce_max3A_1425 [1] : vector<196x196xf32> to vector<196xf32>
    %broadcast_in_dim3A_1427 = vector.shape_cast %reduce_max3A_1426 : vector<196xf32> to vector<196x1xf32>
    %eq3A_1428 = vector.broadcast %broadcast_in_dim3A_1427 : vector<196x1xf32> to vector<196x196xf32>
    %eq3A_1429 = arith.cmpf oeq, %select_n3A_1424, %eq3A_1428 : vector<196x196xf32>
    %jit3A_1430 = arith.constant 196 : i32
    %broadcast_in_dim3A_1431 = vector.broadcast %jit3A_1430 : i32 to vector<196x196xi32>
    %select_n3A_1432 = arith.select %eq3A_1429, %iota3A_1306, %broadcast_in_dim3A_1431 : vector<196x196xi1>, vector<196x196xi32>
    %reduce_min3A_1433 = arith.constant dense<2147483647> : vector<196xi32>
    %reduce_min3A_1434 = vector.multi_reduction <minsi>, %select_n3A_1432, %reduce_min3A_1433 [1] : vector<196x196xi32> to vector<196xi32>
    %broadcast_in_dim3A_1435 = vector.shape_cast %reduce_min3A_1434 : vector<196xi32> to vector<196x1xi32>
    %transpose3A_1436 = tpu.transpose %broadcast_in_dim3A_1435, [1, 0] : vector<196x1xi32> -> vector<1x196xi32>
    %eq3A_1437 = vector.broadcast %broadcast_in_dim3A_1435 : vector<196x1xi32> to vector<196x196xi32>
    %eq3A_1438 = arith.cmpi eq, %iota3A_1306, %eq3A_1437 : vector<196x196xi32>
    %jit3A_1439 = arith.constant 0xFF800000 : f32
    %broadcast_in_dim3A_1440 = vector.broadcast %jit3A_1439 : f32 to vector<196x196xf32>
    %select_n3A_1441 = arith.select %eq3A_1438, %broadcast_in_dim3A_1440, %select_n3A_1424 : vector<196x196xi1>, vector<196x196xf32>
    %reduce_max3A_1442 = arith.constant dense<0xFF800000> : vector<196xf32>
    %reduce_max3A_1443 = vector.multi_reduction <maximumf>, %select_n3A_1441, %reduce_max3A_1442 [1] : vector<196x196xf32> to vector<196xf32>
    %broadcast_in_dim3A_1444 = vector.shape_cast %reduce_max3A_1443 : vector<196xf32> to vector<196x1xf32>
    %eq3A_1445 = vector.broadcast %broadcast_in_dim3A_1444 : vector<196x1xf32> to vector<196x196xf32>
    %eq3A_1446 = arith.cmpf oeq, %select_n3A_1441, %eq3A_1445 : vector<196x196xf32>
    %jit3A_1447 = arith.constant 196 : i32
    %broadcast_in_dim3A_1448 = vector.broadcast %jit3A_1447 : i32 to vector<196x196xi32>
    %select_n3A_1449 = arith.select %eq3A_1446, %iota3A_1306, %broadcast_in_dim3A_1448 : vector<196x196xi1>, vector<196x196xi32>
    %reduce_min3A_1450 = arith.constant dense<2147483647> : vector<196xi32>
    %reduce_min3A_1451 = vector.multi_reduction <minsi>, %select_n3A_1449, %reduce_min3A_1450 [1] : vector<196x196xi32> to vector<196xi32>
    %broadcast_in_dim3A_1452 = vector.shape_cast %reduce_min3A_1451 : vector<196xi32> to vector<196x1xi32>
    %transpose3A_1453 = tpu.transpose %broadcast_in_dim3A_1452, [1, 0] : vector<196x1xi32> -> vector<1x196xi32>
    %get3A_1454 = arith.constant 0 : index
    %get3A_1455 = arith.constant 0 : index
    %get3A_1456 = vector.load %arg2[%get3A_1454, %get3A_1455] : memref<768x384xf32, #tpu.memory_space<vmem>>, vector<768x384xf32>
    %convert_element_type3A_1457 = arith.truncf %get3A_1456 : vector<768x384xf32> to vector<768x384xbf16>
    %convert_element_type3A_1458 = arith.truncf %mul3A_1282 : vector<384x196xf32> to vector<384x196xbf16>
    %dot_general3A_1459 = arith.constant dense<0.000000e+00> : vector<768x196xf32>
    %dot_general3A_1460 = tpu.matmul %convert_element_type3A_1457, %convert_element_type3A_1458, %dot_general3A_1459 {dimension_numbers = #tpu.dot_dimension_numbers<[1], [0], [0], [1], [0, 0, 1, 1], [], []>, transpose_lhs_hint = false} : vector<768x384xbf16>, vector<384x196xbf16>, vector<768x196xf32> -> vector<768x196xf32>
    %slice3A_1461 = vector.extract_strided_slice %dot_general3A_1460 {offsets = [0, 0], sizes = [384, 196], strides = [1, 1]} : vector<768x196xf32> to vector<384x196xf32>
    %get3A_1462 = arith.constant 0 : index
    %get3A_1463 = arith.constant 0 : index
    %get3A_1464 = vector.load %arg3[%get3A_1462, %get3A_1463] : memref<384x1xf32, #tpu.memory_space<vmem>>, vector<384x1xf32>
    %add3A_1465 = vector.broadcast %get3A_1464 : vector<384x1xf32> to vector<384x196xf32>
    %add3A_1466 = arith.addf %slice3A_1461, %add3A_1465 : vector<384x196xf32>
    %slice3A_1467 = vector.extract_strided_slice %dot_general3A_1460 {offsets = [384, 0], sizes = [384, 196], strides = [1, 1]} : vector<768x196xf32> to vector<384x196xf32>
    %broadcast_in_dim3A_1468 = arith.constant 0.000000e+00 : f32
    %broadcast_in_dim3A_1469 = vector.broadcast %broadcast_in_dim3A_1468 : f32 to vector<384x12xf32>
    %concatenate3A_1470 = tpu.concatenate %add3A_1466, %broadcast_in_dim3A_1469 in 1 : vector<384x196xf32>, vector<384x12xf32> -> vector<384x208xf32>
    %swap3A = arith.constant 0 : index
    %swap3A_1471 = arith.constant 0 : index
    %swap3A_1472 = arith.constant 0 : index
    %swap3A_1473 = vector.load %arg8[%swap3A, %swap3A_1471, %swap3A_1472] : memref<1x384x208xf32, #tpu.memory_space<vmem>>, vector<1x384x208xf32>
    %swap3A_1474 = vector.shape_cast %swap3A_1473 : vector<1x384x208xf32> to vector<384x208xf32>
    %swap3A_1475 = vector.shape_cast %concatenate3A_1470 : vector<384x208xf32> to vector<1x384x208xf32>
    tpu.vector_store %arg8[%swap3A, %swap3A_1471, %swap3A_1472], %swap3A_1475 {strides = array<i32>} : memref<1x384x208xf32, #tpu.memory_space<vmem>>, vector<1x384x208xf32>,
    %concatenate3A_1476 = tpu.concatenate %slice3A_1467, %broadcast_in_dim3A_1469 in 1 : vector<384x196xf32>, vector<384x12xf32> -> vector<384x208xf32>
    %swap3A_1477 = arith.constant 0 : index
    %swap3A_1478 = arith.constant 0 : index
    %swap3A_1479 = arith.constant 0 : index
    %swap3A_1480 = vector.load %arg9[%swap3A_1477, %swap3A_1478, %swap3A_1479] : memref<1x384x208xf32, #tpu.memory_space<vmem>>, vector<1x384x208xf32>
    %swap3A_1481 = vector.shape_cast %swap3A_1480 : vector<1x384x208xf32> to vector<384x208xf32>
    %swap3A_1482 = vector.shape_cast %concatenate3A_1476 : vector<384x208xf32> to vector<1x384x208xf32>
    tpu.vector_store %arg9[%swap3A_1477, %swap3A_1478, %swap3A_1479], %swap3A_1482 {strides = array<i32>} : memref<1x384x208xf32, #tpu.memory_space<vmem>>, vector<1x384x208xf32>,
    %concatenate3A_1483 = tpu.concatenate %transpose3A_1317, %transpose3A_1334, %transpose3A_1351, %transpose3A_1368, %transpose3A_1385, %transpose3A_1402, %transpose3A_1419, %transpose3A_1436, %transpose3A_1453 in 0 : vector<1x196xi32>, vector<1x196xi32>, vector<1x196xi32>, vector<1x196xi32>, vector<1x196xi32>, vector<1x196xi32>, vector<1x196xi32>, vector<1x196xi32>, vector<1x196xi32> -> vector<9x196xi32>
    %broadcast_in_dim3A_1484 = arith.constant 0 : i32
    %broadcast_in_dim3A_1485 = vector.broadcast %broadcast_in_dim3A_1484 : i32 to vector<9x12xi32>
    %concatenate3A_1486 = tpu.concatenate %concatenate3A_1483, %broadcast_in_dim3A_1485 in 1 : vector<9x196xi32>, vector<9x12xi32> -> vector<9x208xi32>
    %swap3A_1487 = arith.constant 0 : index
    %swap3A_1488 = arith.constant 0 : index
    %swap3A_1489 = arith.constant 0 : index
    %swap3A_1490 = vector.load %arg10[%swap3A_1487, %swap3A_1488, %swap3A_1489] : memref<1x9x208xi32, #tpu.memory_space<vmem>>, vector<1x9x208xi32>
    %swap3A_1491 = vector.shape_cast %swap3A_1490 : vector<1x9x208xi32> to vector<9x208xi32>
    %swap3A_1492 = vector.shape_cast %concatenate3A_1486 : vector<9x208xi32> to vector<1x9x208xi32>
    tpu.vector_store %arg10[%swap3A_1487, %swap3A_1488, %swap3A_1489], %swap3A_1492 {strides = array<i32>} : memref<1x9x208xi32, #tpu.memory_space<vmem>>, vector<1x9x208xi32>,
    return
  }
  func.func @transform_0(%arg0: i32) -> (i32, i32, i32) {
    %c0_i32 = arith.constant 0 : i32
    %c0_i32_0 = arith.constant 0 : i32
    %c0_i32_1 = arith.constant 0 : i32
    return %arg0, %c0_i32, %c0_i32_0 : i32, i32, i32
  }
  func.func @transform_1(%arg0: i32) -> (i32, i32) {
    %c0_i32 = arith.constant 0 : i32
    %c0_i32_0 = arith.constant 0 : i32
    %c0_i32_1 = arith.constant 0 : i32
    return %c0_i32, %c0_i32_0 : i32, i32
  }
  func.func @transform_2(%arg0: i32) -> (i32, i32) {
    %c0_i32 = arith.constant 0 : i32
    %c0_i32_0 = arith.constant 0 : i32
    %c0_i32_1 = arith.constant 0 : i32
    return %c0_i32, %c0_i32_0 : i32, i32
  }
  func.func @transform_3(%arg0: i32) -> (i32, i32) {
    %c0_i32 = arith.constant 0 : i32
    %c0_i32_0 = arith.constant 0 : i32
    %c0_i32_1 = arith.constant 0 : i32
    return %c0_i32, %c0_i32_0 : i32, i32
  }
  func.func @transform_4(%arg0: i32) -> (i32, i32) {
    %c0_i32 = arith.constant 0 : i32
    %c0_i32_0 = arith.constant 0 : i32
    %c0_i32_1 = arith.constant 0 : i32
    return %c0_i32, %c0_i32_0 : i32, i32
  }
  func.func @transform_5(%arg0: i32) -> (i32, i32) {
    %c0_i32 = arith.constant 0 : i32
    %c0_i32_0 = arith.constant 0 : i32
    %c0_i32_1 = arith.constant 0 : i32
    return %c0_i32, %c0_i32_0 : i32, i32
  }
  func.func @transform_6(%arg0: i32) -> (i32, i32) {
    %c0_i32 = arith.constant 0 : i32
    %c0_i32_0 = arith.constant 0 : i32
    %c0_i32_1 = arith.constant 0 : i32
    return %c0_i32, %c0_i32_0 : i32, i32
  }
  func.func @transform_7(%arg0: i32) -> (i32, i32, i32) {
    %c0_i32 = arith.constant 0 : i32
    %c0_i32_0 = arith.constant 0 : i32
    %c0_i32_1 = arith.constant 0 : i32
    return %arg0, %c0_i32, %c0_i32_0 : i32, i32, i32
  }
  func.func @transform_8(%arg0: i32) -> (i32, i32, i32) {
    %c0_i32 = arith.constant 0 : i32
    %c0_i32_0 = arith.constant 0 : i32
    %c0_i32_1 = arith.constant 0 : i32
    return %arg0, %c0_i32, %c0_i32_0 : i32, i32, i32
  }
  func.func @transform_9(%arg0: i32) -> (i32, i32, i32) {
    %c0_i32 = arith.constant 0 : i32
    %c0_i32_0 = arith.constant 0 : i32
    %c0_i32_1 = arith.constant 0 : i32
    return %arg0, %c0_i32, %c0_i32_0 : i32, i32, i32
  }
}

</mosaic_0001>

<sc_bundles>
// kernel: kernel.4.cloned.1.call-start
scs
__scs_entry_jumppad:
0x0: {  	(pc) =	sbr.rel $0x88, $3  }
0x1: {  	(tag) =	ssettag $0x0;
	lr =	simm.s32 $0x1  }
0x2: {  	[smem:$0x3F9A] =	sst lr;
	_ =	strace $0xD0000000  }
0x3: {  	_ = 	snop  }
0x4: {  	_ = 	snop  }
0x5: {  	_ = 	snop  }
0x6: {  	_ = 	snop  }
0x7: {  	_ = 	snop  }
__scs_overlays_trampoline_lowered:
0x8: {  	[smem:$0x3FA9] =	sst s0  }
0x9: {  	[smem:$0x3FAA] =	sst s1  }
0xa: {  	[smem:$0x3FAB] =	sst s2  }
0xb: {  	[smem:$0x3FAC] =	sst s3  }
0xc: {  	[smem:$0x3FAD] =	sst s4  }
0xd: {  	[smem:$0x3FAE] =	sst s5  }
0xe: {  	[smem:$0x3FAF] =	sst s6  }
0xf: {  	[smem:$0x3FB0] =	sst s7  }
0x10: {  	[smem:$0x3FB1] =	sst s8  }
0x11: {  	[smem:$0x3FB2] =	sst s9;
	s0 =	simm.s32 @!p0 $0x0  }
0x12: {  	s1 =	sld [smem:$0x3F98];
	s0 =	simm.s32 @p0 $0x1  }
0x13: {  	[smem:$0x3FB3] =	sst s0;
	s0 =	simm.s32 @!p1 $0x0  }
0x14: {  	s2 =	sld [smem:$0x3F97];
	s0 =	simm.s32 @p1 $0x1  }
0x15: {  	[smem:$0x3FB4] =	sst s0;
	s0 =	simm.s32 @!p2 $0x0  }
0x16: {  	s3 =	sld [smem:$0x3FDB];
	s0 =	simm.s32 @p2 $0x1  }
0x17: {  	s4 =	simm.s32 $0x1BF5;
	[smem:$0x3FB6] =	sst s0  }
0x18: {  	s0 =	sld [smem:$0x3F99];
	_ =	swait.ge [sflag:s4], $0x0  }
0x19: {  	s7 =	sld [smem:$0x3F9A]  }
0x1a: {  	s8 =	sadd.s32 $0xFFFFE003, lr  }
0x1b: {  	s9 =	sadd.s32 $0xFFFFFEF7, lr;
	s5 =	simm.s32 $0xFFFFFFFF;
	p2 =	slt.u32 s8, $0xFFFFF086  }
0x1c: {  	p1 =	slt.u32 s9, $0xF7A;
	s5 =	simm.s32 @!p2 $0x0  }
0x1d: {  	s5 =	simm.s32 @p1 $0x1;
	p0 =	seq.s32 s7, s2  }
0x1e: {  	s7 =	smul.u32 @!p0 $0xF7A, s2;
	p2 =	seq.s32 @!p0 s5, $0x0  }
0x1f: {  	s9 =	smul.u32 $0xF7A, s1;
	s8 =	simm.s32 @!p0 $0x1BF5;
	p2 =	por !p2, p0  }
0x20: {  	[sflag:s8] =	ssyncset.s32 @!p0 $0xFFFFF086;
	s6 =	sadd.s32 @!p0 s3, s7;
	s7 =	simm.s32 @!p0 $0x108  }
0x21: {  	s3 =	sadd.s32 s3, s9;
	s6 =	sadd.s32 @!p0 $0x88, s6;
	s7 =	simm.s32 @p2 $0x1082  }
0x22: {  	[simem:s7], [sflag:s8] =	dma.local @!p0 [hbm:s6], $0xF7A  }
0x23: {  	s9 =	sor.u32 $0xD0000000, s2;
	s6 =	simm.s32 $0x108;
	_ =	swait.ge @!p0 [sflag:s8], $0x0  }
0x24: {  	s3 =	sadd.s32 $0x88, s3;
	s6 =	simm.s32 @!p1 $0x1082;
	[sflag:s4] =	ssyncset.s32 $0xFFFFF086  }
0x25: {  	[simem:s6], [sflag:s4] =	dma.local [hbm:s3], $0xF7A  }
0x26: {  	[smem:$0x3F9A] =	sst s1;
	(tag) =	ssettag s2;
	_ =	strace s9  }
0x27: {  	s1 =	sld [smem:$0x3FAA]  }
0x28: {  	s2 =	sld [smem:$0x3FAB]  }
0x29: {  	s4 =	sld [smem:$0x3FAD]  }
0x2a: {  	p0 =	seq.s32 s5, $0x0;
	s5 =	sld [smem:$0x3FAE]  }
0x2b: {  	s6 =	sld [smem:$0x3FAF]  }
0x2c: {  	s7 =	sld [smem:$0x3FB0]  }
0x2d: {  	s3 =	simm.s32 $0x108;
	s8 =	sld [smem:$0x3FB1]  }
0x2e: {  	s3 =	simm.s32 @!p0 $0x1082;
	s9 =	sld [smem:$0x3FB2]  }
0x2f: {  	lr =	sadd.s32 s0, s3;
	s0 =	sld [smem:$0x3FA9]  }
0x30: {  	s3 =	sld [smem:$0x3FAC]  }
0x31: {  	[smem:$0x3FB5] =	sst s10  }
0x32: {  	s10 =	sld [smem:$0x3FB3];
	_ =	sdelay $0x3  }
0x33: {  	p0 =	seq.s32 s10, $0x1;
	s10 =	sld [smem:$0x3FB5];
	_ =	sdelay $0x3  }
0x34: {  	[smem:$0x3FB5] =	sst s10  }
0x35: {  	s10 =	sld [smem:$0x3FB4];
	_ =	sdelay $0x3  }
0x36: {  	p1 =	seq.s32 s10, $0x1;
	s10 =	sld [smem:$0x3FB5];
	_ =	sdelay $0x3  }
0x37: {  	[smem:$0x3FB5] =	sst s10  }
0x38: {  	s10 =	sld [smem:$0x3FB6]  }
0x39: {  	_ = 	snop;
	(pc) =	sbr.ind lr, $3  }
0x3a: {  	_ = 	snop  }
0x3b: {  	_ = 	snop  }
0x3c: {  	p2 =	seq.s32 s10, $0x1;
	s10 =	sld [smem:$0x3FB5]  }
0x3d: {  	_ =	shalt  }
0x3e: {  	_ =	shalt  }
0x3f: {  	_ =	shalt  }
0x40: {  	_ =	shalt  }
0x41: {  	_ =	shalt  }
0x42: {  	_ =	shalt  }
0x43: {  	_ =	shalt  }
0x44: {  	_ =	shalt  }
0x45: {  	_ =	shalt  }
0x46: {  	_ =	shalt  }
0x47: {  	_ =	shalt  }
0x48: {  	_ =	shalt  }
0x49: {  	_ =	shalt  }
0x4a: {  	_ =	shalt  }
0x4b: {  	_ =	shalt  }
0x4c: {  	_ =	shalt  }
0x4d: {  	_ =	shalt  }
0x4e: {  	_ =	shalt  }
0x4f: {  	_ =	shalt  }
0x50: {  	_ =	shalt  }
0x51: {  	_ =	shalt  }
0x52: {  	_ =	shalt  }
0x53: {  	_ =	shalt  }
0x54: {  	_ =	shalt  }
0x55: {  	_ =	shalt  }
0x56: {  	_ =	shalt  }
0x57: {  	_ =	shalt  }
0x58: {  	_ =	shalt  }
0x59: {  	_ =	shalt  }
0x5a: {  	_ =	shalt  }
0x5b: {  	_ =	shalt  }
0x5c: {  	_ =	shalt  }
0x5d: {  	_ =	shalt  }
0x5e: {  	_ =	shalt  }
0x5f: {  	_ =	shalt  }
0x60: {  	_ =	shalt  }
0x61: {  	_ =	shalt  }
0x62: {  	_ =	shalt  }
0x63: {  	_ =	shalt  }
0x64: {  	_ =	shalt  }
0x65: {  	_ =	shalt  }
0x66: {  	_ =	shalt  }
0x67: {  	_ =	shalt  }
0x68: {  	_ =	shalt  }
0x69: {  	_ =	shalt  }
0x6a: {  	_ =	shalt  }
0x6b: {  	_ =	shalt  }
0x6c: {  	_ =	shalt  }
0x6d: {  	_ =	shalt  }
0x6e: {  	_ =	shalt  }
0x6f: {  	_ =	shalt  }
0x70: {  	_ =	shalt  }
0x71: {  	_ =	shalt  }
0x72: {  	_ =	shalt  }
0x73: {  	_ =	shalt  }
0x74: {  	_ =	shalt  }
0x75: {  	_ =	shalt  }
0x76: {  	_ =	shalt  }
0x77: {  	_ =	shalt  }
0x78: {  	_ =	shalt  }
0x79: {  	_ =	shalt  }
0x7a: {  	_ =	shalt  }
0x7b: {  	_ =	shalt  }
0x7c: {  	_ =	shalt  }
0x7d: {  	_ =	shalt  }
0x7e: {  	_ =	shalt  }
0x7f: {  	_ =	shalt  }
0x80: {  	_ =	shalt  }
0x81: {  	_ =	shalt  }
0x82: {  	_ =	shalt  }
0x83: {  	_ =	shalt  }
0x84: {  	_ =	shalt  }
0x85: {  	_ =	shalt  }
0x86: {  	_ =	shalt  }
0x87: {  	_ =	shalt  }
.Lfunc_end0:
.L_simem_size_0:
called_computation_lowered:
.L_overlay_start_0:
0x88: {  	s2 =	sld [smem:$0x3FD9]  }
0x89: {  	s3 =	sld [smem:$0x3FFE];
	_ =	sdelay $0x1  }
0x8a: {  	s1 =	srdreg.scid  }
0x8b: {  	s0 =	sand.u32 $0x1, s1  }
0x8c: {  	s17 =	sshll.u32 s0, $0xA;
	s2 =	sadd.s32 s3, s2  }
0x8d: {  	s2 =	sadd.s32 s2, s17  }
0x8e: {  	[smem:$0x3FC1] =	sst s2  }
0x8f: {  	_ = 	snop  }
0x90: {  	s2 =	sld [smem:$0x3FD0];
	(tm) =	ssettm $0x1  }
0x91: {  	s18 =	sld [smem:$0x3FFB];
	_ =	sdelay $0x3  }
0x92: {  	_ =	strace s18  }
0x93: {  	s3 =	sld [smem:$0x3FFC];
	_ =	sdelay $0x3  }
0x94: {  	_ =	strace s3  }
0x95: {  	s3 =	sld [smem:$0x3FFD];
	_ =	sdelay $0x3  }
0x96: {  	_ =	strace s3  }
0x97: {  	_ =	strace $0x8FFFFFFF  }
0x98: {  	s19 =	sld [smem:$0x3FDB];
	_ =	sdelay $0x1  }
0x99: {  	s4 =	simm.s32 $_scs_section_size  }
0x9a: {  	s5 =	simm.s32 $_size__tile_overlayer_lowered;
	s6 =	simm.s32 $_tile_overlayer_lowered  }
0x9b: {  	s22 =	simm.s32 $0x1BFF;
	s21 =	sshll.u32 s6, $0x1;
	s3 =	sadd.s32 s4, s19  }
0x9c: {  	s7 =	simm.s32 $0x0;
	s20 =	sshll.u32 s5, $0x1;
	s5 =	sadd.s32 s21, s3  }
0x9d: {  	[timem:s7], [sflag:s22] =	dma.local [hbm:s5], s20  }
0x9e: {  	_ =	swait.ge [sflag:s22], s20  }
0x9f: {  	s4 =	ssub.s32 $0x0, s20;
	[sflag:s22] =	ssyncset.done $0x0  }
0xa0: {  	[sflag:s22] =	ssyncadd.s32 s4;
	_ =	sdelay $0x1  }
0xa1: {  	s23 =	simm.s32 $0x1B8B  }
0xa2: {  	_ =	swait.ge [sflag:s23], $0x1  }
0xa3: {  	[sflag:s23] =	ssyncset.done $0x0  }
0xa4: {  	s25 =	simm.s32 $0x1B8E;
	s24 =	sld [smem:$0x3FFE];
	[sflag:s23] =	ssyncadd.s32 $0xFFFFFFFF  }
0xa5: {  	s26 =	simm.s32 $execute0_lowered;
	[smem:$0x3FD2] =	sst s25  }
0xa6: {  	s5 =	sshll.u32 s26, $0x1;
	_ =	strace $0x80000046;
	[dreg:$0x1] =	wrdreg $0xFFFFFFFF  }
0xa7: {  	s28 =	simm.s32 $_size_execute0_lowered;
	s3 =	sadd.s32 s3, s5;
	[dreg:$0x0] =	wrdreg $0x0  }
0xa8: {  	s5 =	sshll.u32 s28, $0x1;
	[dreg:$0x2] =	wrdreg s3  }
0xa9: {  	[dreg:$0x3] =	wrdreg s5  }
0xaa: {  	[dreg:$0x4] =	wrdreg $0xC0  }
0xab: {  	_ =	task [dreg:s7], $0x5FFFF  }
0xac: {  	[dreg:$0x1] =	wrdreg $0xFFFFFFFF  }
0xad: {  	[dreg:$0x0] =	wrdreg $0x60  }
0xae: {  	[dreg:$0x2] =	wrdreg s24  }
0xaf: {  	[dreg:$0x3] =	wrdreg s2  }
0xb0: {  	[dreg:$0x4] =	wrdreg $0x9  }
0xb1: {  	_ =	task.clear_ibuf [dreg:s7], $0x5FFFF;
	_ =	strace $0x90000046  }
0xb2: {  	s29 =	simm.s32 $0x9;
	_ =	strace $0x80000048  }
0xb3: {  	_ =	swait.ge [sflag:s29], $0x1  }
0xb4: {  	[sflag:s29] =	ssyncadd.s32 $0xFFFFFFFF  }
0xb5: {  	_ =	strace $0x90000048  }
0xb6: {  	_ =	sfence  }
0xb7: {  	s30 =	sld [smem:$0x0];
	_ =	sdelay $0x2  }
0xb8: {  	s31 =	sshll.u32 s1, $0xD;
	s1 =	sshrl.u32 s1, $0x2  }
0xb9: {  	s3 =	sand.u32 $0x4000, s31;
	s1 =	sadd.s32 s1, s30  }
0xba: {  	s0 =	sor.u32 s3, s0;
	s1 =	sshll.u32 s1, $0x11  }
0xbb: {  	s0 =	sor.u32 s1, s0  }
0xbc: {  	s0 =	sadd.s32 $0x8F2B, s0  }
0xbd: {  	[sflag:s0] =	ssyncadd.remote.s32 $0x1  }
0xbe: {  	_ =	sfence.sel $0xFFFF  }
0xbf: {  	[dreg:$0x0] =	wrdreg $0xFFFFFFFF;
	(pc) =	sbr.abs _section_cstart, $3  }
0xc0: {  	[dreg:$0x1] =	wrdreg $0xFFFFFFFF  }
0xc1: {  	_ =	task.clear_ibuf [dreg:s7], $0x2FFFF;
	_ =	strace $0x9FFFFFFF  }
0xc2: {  	(tm) =	ssettm $0x7FFFFFFF  }
0xc3: {  	_ =	shalt  }
tec
execute0_lowered:
.L_overlay_start_1:
0x0: {  	(tag) =	ssettag $0x1  }
0x1: {  	s1 =	srdreg.scid  }
0x2: {  	s0 =	stileid.u32;
	s5 =	rddreg [dreg:$0x0]  }
0x3: {  	s7 =	rddreg [dreg:$0x1];
	s3 =	simm.s32 $0x0;
	s12 =	simm.s32 $0xD0  }
0x4: {  	s13 =	simm.s32 $0x13F50;
	s4 =	sand.u32 $0x1, s1;
	s31 =	sshll.u32 s0, $0x1  }
0x5: {  	s14 =	simm.s32 $0x15750;
	s15 =	simm.s32 $0x0;
	s6 =	sor.u32 s4, s31  }
0x6: {  	s1 =	rddreg [dreg:$0x2];
	s9 =	ssub.s32 $0x2, s4;
	s2 =	smul.u32 $0x13800, s6  }
0x7: {  	[smem:$0x7FF] =	sst s3;
	s10 =	sshrl.u32 s9, $0x1;
	s11 =	smul.u32 $0xEA, s6  }
0x8: {  	_ =	strace $0x80000047;
	s4 =	sadd.s32 $0x4EA00, s5;
	s9 =	ssub.s32 s9, s10  }
0x9: {  	s10 =	simm.s32 $0x13800;
	s8 =	sshrl.u32 s2, $0x3;
	s7 =	sadd.s32 s7, s11  }
0xa: {  	s11 =	simm.s32 $0x10;
	s8 =	sadd.s32 s8, s5;
	s5 =	sadd.s32 $0x9CA00, s5  }
0xb: {  	s6 =	sadd.s32 $0xA00, s8;
	s8 =	smax.u32 s9, $0x1;
	s9 =	simm.s32 $0x1  }
.LBB2_1:
0xc: {  	[tilespmem:s3], [sflag:$0x1] =	stream.linear.gather [hbm4b:s6+s3], $0x13800, $0x38;
	[tilespmem:$0x16F50] =	vst v63  }
0xd: {  	_ =	swait.ge [sflag:s9], $0x13800  }
0xe: {  	[sflag:s9] =	ssyncset.done $0x0  }
0xf: {  	[sflag:s9] =	ssyncadd.s32 $0xFFFEC800  }
0x10: {  	[tilespmem:s10], [sflag:$0x1] =	stream.linear.gather [hbm4b:s7+s3], $0x750, $0x38;
	[tilespmem:$0x16F50] =	vst v63  }
0x11: {  	_ =	swait.ge [sflag:s9], $0x750  }
0x12: {  	[sflag:s9] =	ssyncset.done $0x0  }
0x13: {  	s16 =	simm.s32 $0x0;
	[sflag:s9] =	ssyncadd.s32 $0xFFFFF8B0  }
.LBB2_2:
0x14: {  	s18 =	sshll.u32 s16, $0x4  }
0x15: {  	s17 =	sor.u32 s2, s18  }
0x16: {  	s17 =	sshrl.u32 s17, $0x3  }
0x17: {  	s19 =	sadd.s32 s4, s17  }
0x18: {  	[tilespmem:s13], [sflag:$0x1] =	stream.strided.gather [hbm4b:s19+s11], $0x1800, s12, s11, $0x38;
	[tilespmem:$0x16F50] =	vst v63  }
0x19: {  	_ =	swait.ge [sflag:s9], $0x1800  }
0x1a: {  	[sflag:s9] =	ssyncset.done $0x0  }
0x1b: {  	[sflag:s9] =	ssyncadd.s32 $0xFFFFE800  }
0x1c: {  	v29 =	vld [tilespmem:s18+$0x13800]  }
0x1d: {  	v1 =	vld [tilespmem:s18+$0x138D0]  }
0x1e: {  	v2 =	vld [tilespmem:s18+$0x139A0]  }
0x1f: {  	v3 =	vld [tilespmem:s18+$0x13A70]  }
0x20: {  	s30 =	simm.s32 $0x5B0;
	v4 =	vld [tilespmem:s18+$0x13B40]  }
0x21: {  	s21 =	simm.s32 $0x4E0;
	v5 =	vld [tilespmem:s18+$0x13C10];
	v9 =	vadd.s32 s30, v29  }
0x22: {  	v6 =	vld [tilespmem:s18+$0x13CE0];
	v10 =	vadd.s32 s21, v29  }
0x23: {  	v7 =	vld [tilespmem:s18+$0x13DB0];
	v11 =	vadd.s32 s21, v1  }
0x24: {  	v8 =	vld [tilespmem:s18+$0x13E80];
	s18 =	simm.s32 $0x13F90;
	v12 =	vadd.s32 s21, v2  }
0x25: {  	v25 =	vld [tilespmem:s18+$0x20];
	v13 =	vadd.s32 s21, v3  }
0x26: {  	v14 =	vadd.s32 s21, v4;
	v9 =	vld.idx.msk [tilespmem:v9+s3+$0x0], $0xffff  }
0x27: {  	v15 =	vadd.s32 s21, v5;
	v10 =	vld.idx.msk [tilespmem:v10+s3+$0x0], $0xffff  }
0x28: {  	v16 =	vadd.s32 s21, v6;
	v11 =	vld.idx.msk [tilespmem:v11+s3+$0x0], $0xffff  }
0x29: {  	v17 =	vadd.s32 s21, v7;
	v12 =	vld.idx.msk [tilespmem:v12+s3+$0x0], $0xffff  }
0x2a: {  	s20 =	simm.s32 $0x0;
	v18 =	vadd.s32 s21, v8;
	v13 =	vld.idx.msk [tilespmem:v13+s3+$0x0], $0xffff  }
0x2b: {  	v19 =	vadd.s32 s20, v29;
	v14 =	vld.idx.msk [tilespmem:v14+s3+$0x0], $0xffff  }
0x2c: {  	s31 =	simm.s32 $0xD0;
	v20 =	vadd.s32 s20, v1;
	v15 =	vld.idx.msk [tilespmem:v15+s3+$0x0], $0xffff  }
0x2d: {  	v21 =	vadd.s32 s31, v29;
	v16 =	vld.idx.msk [tilespmem:v16+s3+$0x0], $0xffff  }
0x2e: {  	s22 =	simm.s32 $0x1A0;
	v22 =	vadd.s32 s31, v1;
	v17 =	vld.idx.msk [tilespmem:v17+s3+$0x0], $0xffff  }
0x2f: {  	v23 =	vadd.s32 s22, v29;
	v18 =	vld.idx.msk [tilespmem:v18+s3+$0x0], $0xffff  }
0x30: {  	s23 =	simm.s32 $0x270;
	v24 =	vadd.s32 s22, v1;
	v19 =	vld.idx.msk [tilespmem:v19+s3+$0x0], $0xffff  }
0x31: {  	v26 =	vadd.s32 s23, v29;
	v20 =	vld.idx.msk [tilespmem:v20+s3+$0x0], $0xffff  }
0x32: {  	s24 =	simm.s32 $0x340;
	v27 =	vadd.s32 s23, v1;
	v21 =	vld.idx.msk [tilespmem:v21+s3+$0x0], $0xffff  }
0x33: {  	v28 =	vadd.s32 s24, v29;
	v22 =	vld.idx.msk [tilespmem:v22+s3+$0x0], $0xffff  }
0x34: {  	s25 =	simm.s32 $0x410;
	v34 =	vadd.s32 s24, v1;
	v23 =	vld.idx.msk [tilespmem:v23+s3+$0x0], $0xffff  }
0x35: {  	v30 =	vadd.s32 s25, v29;
	v24 =	vld.idx.msk [tilespmem:v24+s3+$0x0], $0xffff  }
0x36: {  	v31 =	vadd.s32 s25, v1;
	v26 =	vld.idx.msk [tilespmem:v26+s3+$0x0], $0xffff  }
0x37: {  	v32 =	vadd.s32 s30, v1;
	v27 =	vld.idx.msk [tilespmem:v27+s3+$0x0], $0xffff  }
0x38: {  	v33 =	vadd.s32 s20, v2;
	v28 =	vld.idx.msk [tilespmem:v28+s3+$0x0], $0xffff  }
0x39: {  	v0 =	vadd.s32 s31, v2;
	v54 =	vld.idx.msk [tilespmem:v34+s3+$0x0], $0xffff  }
0x3a: {  	v35 =	vadd.s32 s22, v2;
	v30 =	vld.idx.msk [tilespmem:v30+s3+$0x0], $0xffff  }
0x3b: {  	v36 =	vadd.s32 s23, v2;
	v31 =	vld.idx.msk [tilespmem:v31+s3+$0x0], $0xffff  }
0x3c: {  	v59 =	vadd.s32 s24, v2;
	v32 =	vld.idx.msk [tilespmem:v32+s3+$0x0], $0xffff  }
0x3d: {  	v37 =	vadd.s32 s25, v2;
	v33 =	vld.idx.msk [tilespmem:v33+s3+$0x0], $0xffff  }
0x3e: {  	v39 =	vadd.s32 s30, v2;
	v0 =	vld.idx.msk [tilespmem:v0+s3+$0x0], $0xffff  }
0x3f: {  	v40 =	vadd.s32 s20, v3;
	v35 =	vld.idx.msk [tilespmem:v35+s3+$0x0], $0xffff  }
0x40: {  	v38 =	vadd.s32 s31, v3;
	v36 =	vld.idx.msk [tilespmem:v36+s3+$0x0], $0xffff  }
0x41: {  	v41 =	vadd.s32 s22, v3;
	v34 =	vld.idx.msk [tilespmem:v59+s3+$0x0], $0xffff  }
0x42: {  	v43 =	vadd.s32 s23, v3;
	v37 =	vld.idx.msk [tilespmem:v37+s3+$0x0], $0xffff  }
0x43: {  	v44 =	vadd.s32 s24, v3;
	v39 =	vld.idx.msk [tilespmem:v39+s3+$0x0], $0xffff  }
0x44: {  	v42 =	vadd.s32 s25, v3;
	v40 =	vld.idx.msk [tilespmem:v40+s3+$0x0], $0xffff  }
0x45: {  	v45 =	vadd.s32 s30, v3;
	v38 =	vld.idx.msk [tilespmem:v38+s3+$0x0], $0xffff  }
0x46: {  	v47 =	vadd.s32 s20, v4;
	v41 =	vld.idx.msk [tilespmem:v41+s3+$0x0], $0xffff  }
0x47: {  	v48 =	vadd.s32 s31, v4;
	v43 =	vld.idx.msk [tilespmem:v43+s3+$0x0], $0xffff  }
0x48: {  	v46 =	vadd.s32 s22, v4;
	v44 =	vld.idx.msk [tilespmem:v44+s3+$0x0], $0xffff  }
0x49: {  	v49 =	vadd.s32 s23, v4;
	v42 =	vld.idx.msk [tilespmem:v42+s3+$0x0], $0xffff  }
0x4a: {  	v51 =	vadd.s32 s24, v4;
	v45 =	vld.idx.msk [tilespmem:v45+s3+$0x0], $0xffff  }
0x4b: {  	v50 =	vadd.s32 s25, v4;
	v47 =	vld.idx.msk [tilespmem:v47+s3+$0x0], $0xffff  }
0x4c: {  	v53 =	vadd.s32 s30, v4;
	v48 =	vld.idx.msk [tilespmem:v48+s3+$0x0], $0xffff  }
0x4d: {  	v56 =	vadd.s32 s20, v5;
	v46 =	vld.idx.msk [tilespmem:v46+s3+$0x0], $0xffff  }
0x4e: {  	v52 =	vadd.s32 s31, v5;
	v49 =	vld.idx.msk [tilespmem:v49+s3+$0x0], $0xffff  }
0x4f: {  	v55 =	vadd.s32 s22, v5;
	v51 =	vld.idx.msk [tilespmem:v51+s3+$0x0], $0xffff  }
0x50: {  	v60 =	vadd.s32 s30, v6;
	v50 =	vld.idx.msk [tilespmem:v50+s3+$0x0], $0xffff  }
0x51: {  	v62 =	vadd.s32 s31, v7;
	v53 =	vld.idx.msk [tilespmem:v53+s3+$0x0], $0xffff  }
0x52: {  	v63 =	vadd.s32 s24, v7;
	v56 =	vld.idx.msk [tilespmem:v56+s3+$0x0], $0xffff  }
0x53: {  	v52 =	vld.idx.msk [tilespmem:v52+s3+$0x0], $0xffff;
	v59 =	vadd.s32 s22, v8  }
0x54: {  	v57 =	vadd.s32 s20, v8;
	v58 =	vadd.s32 s31, v8;
	v55 =	vld.idx.msk [tilespmem:v55+s3+$0x0], $0xffff  }
0x55: {  	v19 =	vmax.f32 v19, v20;
	v20 =	vmax.f32 v21, v22;
	v22 =	vmax.f32 v23, v24;
	v24 =	vld.idx.msk [tilespmem:v60+s3+$0x0], $0xffff  }
0x56: {  	v10 =	vmax.f32 v10, v11;
	v11 =	vadd.s32 s23, v5;
	v61 =	vmax.f32 v28, v54;
	v54 =	vld.idx.msk [tilespmem:v62+s3+$0x0], $0xffff  }
0x57: {  	v21 =	vadd.s32 s25, v6;
	v23 =	vmax.f32 v26, v27;
	v9 =	vmax.f32 v9, v32;
	v32 =	vld.idx.msk [tilespmem:v63+s3+$0x0], $0xffff  }
0x58: {  	v27 =	vmax.f32 v30, v31;
	v28 =	vadd.s32 s20, v7;
	v30 =	vadd.s32 s22, v7;
	v63 =	vld.idx.msk [tilespmem:v59+s3+$0x0], $0xffff  }
0x59: {  	v31 =	vadd.s32 s23, v7;
	v60 =	vadd.s32 s23, v8;
	v22 =	vmax.f32 v22, v35;
	v35 =	vld.idx.msk [tilespmem:v57+s3+$0x0], $0xffff  }
0x5a: {  	v62 =	vadd.s32 s25, v8;
	v10 =	vmax.f32 v10, v12;
	v23 =	vmax.f32 v23, v36;
	v36 =	vld.idx.msk [tilespmem:v58+s3+$0x0], $0xffff  }
0x5b: {  	v12 =	vadd.s32 s24, v5;
	v19 =	vmax.f32 v19, v33;
	v20 =	vmax.f32 v20, v0;
	v11 =	vld.idx.msk [tilespmem:v11+s3+$0x0], $0xffff  }
0x5c: {  	v26 =	vmax.f32 v61, v34;
	v27 =	vmax.f32 v27, v37;
	v0 =	vadd.s32 s30, v7;
	v21 =	vld.idx.msk [tilespmem:v21+s3+$0x0], $0xffff  }
0x5d: {  	v9 =	vmax.f32 v9, v39;
	v10 =	vmax.f32 v10, v13;
	v13 =	vadd.s32 s25, v5;
	v28 =	vld.idx.msk [tilespmem:v28+s3+$0x0], $0xffff  }
0x5e: {  	v61 =	vadd.s32 s24, v8;
	v10 =	vmax.f32 v10, v14;
	v14 =	vadd.s32 s30, v5;
	v30 =	vld.idx.msk [tilespmem:v30+s3+$0x0], $0xffff  }
0x5f: {  	v19 =	vmax.f32 v19, v40;
	v10 =	vmax.f32 v10, v15;
	v15 =	vadd.s32 s20, v6;
	v31 =	vld.idx.msk [tilespmem:v31+s3+$0x0], $0xffff  }
0x60: {  	v20 =	vmax.f32 v20, v38;
	v10 =	vmax.f32 v10, v16;
	v16 =	vadd.s32 s31, v6;
	v12 =	vld.idx.msk [tilespmem:v12+s3+$0x0], $0xffff  }
0x61: {  	v40 =	vadd.s32 s25, v7;
	v10 =	vmax.f32 v10, v17;
	v17 =	vadd.s32 s22, v6;
	v0 =	vld.idx.msk [tilespmem:v0+s3+$0x0], $0xffff  }
0x62: {  	v22 =	vmax.f32 v22, v41;
	v10 =	vmax.f32 v10, v18;
	v18 =	vadd.s32 s23, v6;
	v13 =	vld.idx.msk [tilespmem:v13+s3+$0x0], $0xffff  }
0x63: {  	v23 =	vmax.f32 v23, v43;
	v25 =	vadd.f32 v10, v25;
	v10 =	vadd.s32 s24, v6;
	v14 =	vld.idx.msk [tilespmem:v14+s3+$0x0], $0xffff  }
0x64: {  	v26 =	vmax.f32 v26, v44;
	v27 =	vmax.f32 v27, v42;
	v9 =	vmax.f32 v9, v45;
	v15 =	vld.idx.msk [tilespmem:v15+s3+$0x0], $0xffff  }
0x65: {  	v19 =	vmax.f32 v19, v47;
	v20 =	vmax.f32 v20, v48;
	v23 =	vmax.f32 v23, v49;
	v16 =	vld.idx.msk [tilespmem:v16+s3+$0x0], $0xffff  }
0x66: {  	v22 =	vmax.f32 v22, v46;
	v11 =	vmax.f32 v23, v11;
	v23 =	vadd.s32 s30, v8;
	v17 =	vld.idx.msk [tilespmem:v17+s3+$0x0], $0xffff  }
0x67: {  	v26 =	vmax.f32 v26, v51;
	v27 =	vmax.f32 v27, v50;
	v9 =	vmax.f32 v9, v53;
	v18 =	vld.idx.msk [tilespmem:v18+s3+$0x0], $0xffff  }
0x68: {  	v19 =	vmax.f32 v19, v56;
	v20 =	vmax.f32 v20, v52;
	v22 =	vmax.f32 v22, v55;
	v10 =	vld.idx.msk [tilespmem:v10+s3+$0x0], $0xffff  }
0x69: {  	v33 =	vld.idx.msk [tilespmem:v40+s3+$0x0], $0xffff;
	v12 =	vmax.f32 v26, v12;
	v13 =	vmax.f32 v27, v13;
	v14 =	vmax.f32 v9, v14  }
0x6a: {  	v9 =	vld.idx.msk [tilespmem:v60+s3+$0x0], $0xffff;
	v15 =	vmax.f32 v19, v15;
	v19 =	vmax.f32 v13, v21;
	v14 =	vmax.f32 v14, v24  }
0x6b: {  	v16 =	vmax.f32 v20, v16;
	v20 =	vmax.f32 v15, v28;
	v13 =	vld.idx.msk [tilespmem:v23+s3+$0x0], $0xffff;
	v14 =	vmax.f32 v14, v0  }
0x6c: {  	v17 =	vmax.f32 v22, v17;
	v21 =	vmax.f32 v16, v54;
	v18 =	vmax.f32 v11, v18;
	v11 =	vld.idx.msk [tilespmem:v61+s3+$0x0], $0xffff  }
0x6d: {  	s20 =	simm.s32 $0x15790;
	v22 =	vmax.f32 v17, v30;
	v17 =	vmax.f32 v25, $0.0e+00;
	v12 =	vmax.f32 v12, v10;
	v10 =	vld.idx.msk [tilespmem:v62+s3+$0x0], $0xffff  }
0x6e: {  	v23 =	vld [tilespmem:s18+$0xFFFFFFD0];
	v15 =	vmax.f32 v18, v31;
	[tilespmem:s20+$0x20] =	vst v17;
	v17 =	vmax.f32 v20, v35;
	v20 =	vmax.f32 v21, v36  }
0x6f: {  	s19 =	simm.s32 $0x15790;
	s21 =	simm.s32 $0x0;
	s22 =	simm.s32 $0xC30;
	v18 =	vld [tilespmem:s18+$0xFFFFFFC0];
	v16 =	vmax.f32 v12, v32;
	v12 =	vmax.f32 v19, v33;
	v19 =	vmax.f32 v22, v63  }
.LBB2_3:
0x70: {  	s30 =	sadd.s32 $0xFFFFFF30, s22;
	v21 =	vadd.s32 s22, v29  }
0x71: {  	v22 =	vadd.s32 s30, v29  }
0x72: {  	v0 =	vadd.s32 s22, v1;
	v24 =	vadd.s32 s30, v1  }
0x73: {  	v26 =	vld [tilespmem:s18+$0x30];
	[tilespmem:$0x1FE60] =	vst v0;
	v0 =	vadd.s32 s22, v2;
	v25 =	vadd.s32 s30, v2  }
0x74: {  	v27 =	vadd.s32 s30, v3;
	[tilespmem:$0x1FEC0] =	vst v0;
	v0 =	vld [tilespmem:s18+$0xFFFFFFE0]  }
0x75: {  	v40 =	vadd.s32 s30, v4;
	v28 =	vld.idx.msk [tilespmem:v21+s3+$0x0], $0xffff  }
0x76: {  	v44 =	vadd.s32 s30, v5;
	v43 =	vld.idx.msk [tilespmem:v22+s3+$0x0], $0xffff  }
0x77: {  	v48 =	vadd.s32 s30, v6;
	v47 =	vld.idx.msk [tilespmem:v24+s3+$0x0], $0xffff  }
0x78: {  	v53 =	vadd.s32 s30, v7;
	v51 =	vld.idx.msk [tilespmem:v25+s3+$0x0], $0xffff  }
0x79: {  	v52 =	vadd.s32 s30, v8;
	v58 =	vld.idx.msk [tilespmem:v27+s3+$0x0], $0xffff  }
0x7a: {  	s28 =	sadd.s32 $0xFFFFFA50, s22;
	v55 =	vld.idx.msk [tilespmem:v40+s3+$0x0], $0xffff  }
0x7b: {  	v35 =	vadd.s32 s28, v29;
	v56 =	vld.idx.msk [tilespmem:v44+s3+$0x0], $0xffff  }
0x7c: {  	s23 =	sadd.s32 $0xFFFFFB20, s22;
	v36 =	vadd.s32 s28, v1;
	v57 =	vld.idx.msk [tilespmem:v48+s3+$0x0], $0xffff  }
0x7d: {  	s29 =	sadd.s32 $0xFFFFFCC0, s22;
	v31 =	vadd.s32 s23, v1;
	v59 =	vld.idx.msk [tilespmem:v53+s3+$0x0], $0xffff  }
0x7e: {  	v39 =	vadd.s32 s29, v29;
	v52 =	vld.idx.msk [tilespmem:v52+s3+$0x0], $0xffff  }
0x7f: {  	s26 =	sadd.s32 $0xFFFFFE60, s22;
	[tilespmem:$0x1FE70] =	vst v0;
	v0 =	vld [tilespmem:s18+$0xFFFFFFF0]  }
0x80: {  	v38 =	vadd.s32 s26, v29;
	v60 =	vld.idx.msk [tilespmem:v35+s3+$0x0], $0xffff  }
0x81: {  	v42 =	vadd.s32 s28, v2;
	v36 =	vld.idx.msk [tilespmem:v36+s3+$0x0], $0xffff  }
0x82: {  	s24 =	sadd.s32 $0xFFFFFBF0, s22;
	v10 =	vmax.f32 v12, v10;
	v31 =	vld.idx.msk [tilespmem:v31+s3+$0x0], $0xffff  }
0x83: {  	v32 =	vadd.s32 s24, v29;
	v33 =	vadd.s32 s24, v1;
	v39 =	vld.idx.msk [tilespmem:v39+s3+$0x0], $0xffff;
	v47 =	vmax.f32 v43, v47  }
0x84: {  	v45 =	vadd.s32 s23, v2;
	v61 =	vadd.s32 s26, v4;
	[tilespmem:$0x1FE80] =	vst v0;
	v0 =	vld [tilespmem:s18+$0x0];
	v47 =	vmax.f32 v47, v51  }
0x85: {  	v9 =	vmax.f32 v15, v9;
	v12 =	vmax.f32 v14, v13;
	v38 =	vld.idx.msk [tilespmem:v38+s3+$0x0], $0xffff;
	v62 =	vmax.f32 v47, v58  }
0x86: {  	[tilespmem:$0x1FEF0] =	vst v61;
	v14 =	vadd.f32 v17, v18;
	v15 =	vld.idx.msk [tilespmem:v42+s3+$0x0], $0xffff;
	v61 =	vmax.f32 v62, v55;
	v62 =	vadd.s32 s28, v6  }
0x87: {  	v17 =	vadd.f32 v20, v23;
	v20 =	vld [tilespmem:$0x1FE70];
	v56 =	vmax.f32 v61, v56;
	[tilespmem:$0x1FF00] =	vst v62;
	v62 =	vadd.s32 s23, v6  }
0x88: {  	v56 =	vmax.f32 v56, v57;
	[tilespmem:$0x1FF10] =	vst v62;
	v62 =	vld.idx.msk [tilespmem:v32+s3+$0x0], $0xffff  }
0x89: {  	[tilespmem:$0x1FE90] =	vst v0;
	v0 =	vld [tilespmem:s18+$0x10];
	v59 =	vmax.f32 v56, v59  }
0x8a: {  	v30 =	vadd.s32 s23, v29;
	v52 =	vmax.f32 v59, v52;
	v59 =	vld.idx.msk [tilespmem:v33+s3+$0x0], $0xffff  }
0x8b: {  	v23 =	vld [tilespmem:$0x1FE90]  }
0x8c: {  	[tilespmem:$0x1FEB0] =	vst v26;
	v13 =	vld.idx.msk [tilespmem:v45+s3+$0x0], $0xffff;
	v14 =	vmax.f32 v14, $0.0e+00  }
0x8d: {  	[tilespmem:s19+$0xFFFFFFC0] =	vst v14;
	v14 =	vmax.f32 v17, $0.0e+00;
	v17 =	vld [tilespmem:$0x1FEB0]  }
0x8e: {  	v41 =	vadd.s32 s26, v1;
	v19 =	vadd.f32 v19, v20;
	v20 =	vld [tilespmem:$0x1FE80]  }
0x8f: {  	s25 =	sadd.s32 $0xFFFFFD90, s22;
	v11 =	vmax.f32 v16, v11;
	v21 =	vadd.s32 s26, v2;
	v61 =	vld.idx.msk [tilespmem:v30+s3+$0x0], $0xffff;
	[tilespmem:$0x1FEA0] =	vst v0  }
0x90: {  	v59 =	vmax.f32 v62, v59;
	v62 =	vadd.s32 s25, v8;
	v11 =	vadd.f32 v11, v23;
	v23 =	vld [tilespmem:$0x1FEA0]  }
0x91: {  	v49 =	vadd.s32 s29, v2;
	[tilespmem:$0x1FFD0] =	vst v62;
	v62 =	vld [tilespmem:$0x1FE60]  }
0x92: {  	[tilespmem:s19+$0xFFFFFFD0] =	vst v14;
	v14 =	vmax.f32 v19, $0.0e+00;
	v19 =	vld [tilespmem:$0x1FEC0];
	v0 =	vadd.s32 s29, v1  }
0x93: {  	v26 =	vadd.s32 s29, v3;
	v41 =	vld.idx.msk [tilespmem:v41+s3+$0x0], $0xffff  }
0x94: {  	v54 =	vadd.s32 s29, v4;
	v12 =	vadd.f32 v12, v17;
	v17 =	vld.idx.msk [tilespmem:v21+s3+$0x0], $0xffff;
	s18 =	sadd.s32 $0x80, s18;
	v9 =	vadd.f32 v9, v20  }
0x95: {  	[tilespmem:$0x1FEE0] =	vst v54;
	v54 =	vld [tilespmem:s18+$0x20];
	v10 =	vadd.f32 v10, v23  }
0x96: {  	v20 =	vld.idx.msk [tilespmem:v49+s3+$0x0], $0xffff;
	v9 =	vmax.f32 v9, $0.0e+00  }
0x97: {  	v46 =	vadd.s32 s24, v2;
	v36 =	vmax.f32 v60, v36;
	v60 =	vld.idx.msk [tilespmem:v0+s3+$0x0], $0xffff;
	[tilespmem:s19+$0xFFFFFFF0] =	vst v9;
	v10 =	vmax.f32 v10, $0.0e+00  }
0x98: {  	v22 =	vadd.s32 s28, v3;
	[tilespmem:s19+$0x10] =	vst v10;
	v10 =	vld.idx.msk [tilespmem:v26+s3+$0x0], $0xffff  }
0x99: {  	v62 =	vld.idx.msk [tilespmem:v62+s3+$0x0], $0xffff  }
0x9a: {  	v44 =	vadd.s32 s28, v4;
	v19 =	vld.idx.msk [tilespmem:v19+s3+$0x0], $0xffff  }
0x9b: {  	v37 =	vadd.s32 s25, v1  }
0x9c: {  	v24 =	vadd.s32 s23, v3;
	v18 =	vld.idx.msk [tilespmem:v46+s3+$0x0], $0xffff;
	v16 =	vmax.f32 v39, v60  }
0x9d: {  	v50 =	vadd.s32 s25, v2;
	[tilespmem:s19+$0xFFFFFFE0] =	vst v14;
	v14 =	vld.idx.msk [tilespmem:v22+s3+$0x0], $0xffff;
	v54 =	vadd.f32 v52, v54;
	v16 =	vmax.f32 v16, v20  }
0x9e: {  	v34 =	vadd.s32 s25, v29;
	v10 =	vmax.f32 v16, v10;
	v16 =	vld [tilespmem:$0x1FEE0];
	v21 =	vmax.f32 v28, v62  }
0x9f: {  	s20 =	sadd.s32 $0x80, s20;
	v35 =	vadd.s32 s28, v5;
	v54 =	vmax.f32 v54, $0.0e+00;
	v19 =	vmax.f32 v21, v19;
	v21 =	vld.idx.msk [tilespmem:v44+s3+$0x0], $0xffff  }
0xa0: {  	v63 =	vadd.s32 s25, v3;
	[tilespmem:s20+$0x20] =	vst v54;
	v54 =	vmax.f32 v61, v31;
	v61 =	vld.idx.msk [tilespmem:v37+s3+$0x0], $0xffff  }
0xa1: {  	v0 =	vadd.s32 s29, v7;
	v9 =	vmax.f32 v12, $0.0e+00;
	v12 =	vld.idx.msk [tilespmem:v24+s3+$0x0], $0xffff  }
0xa2: {  	v25 =	vadd.s32 s24, v3;
	v15 =	vmax.f32 v36, v15;
	[tilespmem:$0x1FF70] =	vst v0;
	v0 =	vadd.s32 s29, v8;
	v23 =	vld.idx.msk [tilespmem:v50+s3+$0x0], $0xffff  }
0xa3: {  	v14 =	vmax.f32 v15, v14;
	v11 =	vmax.f32 v11, $0.0e+00;
	[tilespmem:$0x1FFC0] =	vst v0;
	v0 =	vld.idx.msk [tilespmem:v34+s3+$0x0], $0xffff  }
0xa4: {  	[tilespmem:s19+$0x0] =	vst v11;
	v14 =	vmax.f32 v14, v21;
	v21 =	vld.idx.msk [tilespmem:v35+s3+$0x0], $0xffff  }
0xa5: {  	v43 =	vadd.s32 s25, v4;
	[tilespmem:s19+$0x30] =	vst v9;
	v9 =	vld.idx.msk [tilespmem:v63+s3+$0x0], $0xffff  }
0xa6: {  	v27 =	vadd.s32 s23, v4;
	v53 =	vadd.s32 s29, v5;
	v16 =	vld.idx.msk [tilespmem:v16+s3+$0x0], $0xffff  }
0xa7: {  	v40 =	vadd.s32 s26, v3;
	[tilespmem:$0x1FED0] =	vst v27;
	v13 =	vmax.f32 v54, v13;
	v11 =	vld.idx.msk [tilespmem:v25+s3+$0x0], $0xffff  }
0xa8: {  	v27 =	vadd.s32 s22, v3;
	v12 =	vmax.f32 v13, v12;
	v13 =	vld [tilespmem:$0x1FED0];
	v0 =	vmax.f32 v0, v61  }
0xa9: {  	v48 =	vadd.s32 s24, v4;
	v0 =	vmax.f32 v0, v23;
	v14 =	vmax.f32 v14, v21;
	v21 =	vld [tilespmem:$0x1FF00]  }
0xaa: {  	v55 =	vadd.s32 s25, v5;
	v0 =	vmax.f32 v0, v9;
	v9 =	vld.idx.msk [tilespmem:v43+s3+$0x0], $0xffff  }
0xab: {  	v10 =	vmax.f32 v10, v16;
	v16 =	vld.idx.msk [tilespmem:v53+s3+$0x0], $0xffff  }
0xac: {  	v20 =	vld.idx.msk [tilespmem:v40+s3+$0x0], $0xffff  }
0xad: {  	v18 =	vmax.f32 v59, v18;
	v34 =	vadd.s32 s25, v7;
	v15 =	vld.idx.msk [tilespmem:v27+s3+$0x0], $0xffff  }
0xae: {  	v32 =	vadd.s32 s29, v6;
	v11 =	vmax.f32 v18, v11;
	v18 =	vld.idx.msk [tilespmem:v48+s3+$0x0], $0xffff  }
0xaf: {  	v58 =	vadd.s32 s22, v4;
	[tilespmem:$0x1FF20] =	vst v32;
	v0 =	vmax.f32 v0, v9;
	v9 =	vld.idx.msk [tilespmem:v55+s3+$0x0], $0xffff  }
0xb0: {  	v33 =	vadd.s32 s25, v6;
	v10 =	vmax.f32 v10, v16;
	v16 =	vld [tilespmem:$0x1FF20]  }
0xb1: {  	v38 =	vmax.f32 v38, v41;
	v21 =	vld.idx.msk [tilespmem:v21+s3+$0x0], $0xffff  }
0xb2: {  	v47 =	vadd.s32 s24, v5;
	v17 =	vmax.f32 v38, v17;
	v22 =	vld.idx.msk [tilespmem:v34+s3+$0x0], $0xffff  }
0xb3: {  	v32 =	vadd.s32 s26, v6;
	v17 =	vmax.f32 v17, v20;
	v20 =	vld [tilespmem:$0x1FEF0]  }
0xb4: {  	[tilespmem:$0x1FF30] =	vst v32;
	v32 =	vadd.s32 s28, v7;
	v15 =	vmax.f32 v19, v15;
	v19 =	vld.idx.msk [tilespmem:v58+s3+$0x0], $0xffff  }
0xb5: {  	v57 =	vadd.s32 s22, v5;
	[tilespmem:$0x1FF40] =	vst v32;
	v0 =	vmax.f32 v0, v9;
	v9 =	vld.idx.msk [tilespmem:v33+s3+$0x0], $0xffff  }
0xb6: {  	v14 =	vmax.f32 v14, v21;
	v21 =	vld [tilespmem:$0x1FF40]  }
0xb7: {  	v56 =	vadd.s32 s24, v6;
	v32 =	vadd.s32 s23, v7;
	v11 =	vmax.f32 v11, v18;
	v18 =	vld.idx.msk [tilespmem:v47+s3+$0x0], $0xffff  }
0xb8: {  	[tilespmem:$0x1FF50] =	vst v32;
	v32 =	vadd.s32 s24, v7;
	v16 =	vld.idx.msk [tilespmem:v16+s3+$0x0], $0xffff  }
0xb9: {  	[tilespmem:$0x1FF60] =	vst v32;
	v32 =	vadd.s32 s22, v7;
	v13 =	vld.idx.msk [tilespmem:v13+s3+$0x0], $0xffff  }
0xba: {  	v51 =	vadd.s32 s23, v5;
	[tilespmem:$0x1FF80] =	vst v32;
	v15 =	vmax.f32 v15, v19;
	v19 =	vld.idx.msk [tilespmem:v57+s3+$0x0], $0xffff  }
0xbb: {  	v0 =	vmax.f32 v0, v9;
	v9 =	vld [tilespmem:$0x1FF80]  }
0xbc: {  	v52 =	vadd.s32 s22, v6;
	v11 =	vmax.f32 v11, v18;
	v18 =	vld.idx.msk [tilespmem:v56+s3+$0x0], $0xffff  }
0xbd: {  	v10 =	vmax.f32 v10, v16;
	v16 =	vld [tilespmem:$0x1FF70]  }
0xbe: {  	v21 =	vld.idx.msk [tilespmem:v21+s3+$0x0], $0xffff  }
0xbf: {  	v12 =	vmax.f32 v12, v13;
	v13 =	vld.idx.msk [tilespmem:v51+s3+$0x0], $0xffff  }
0xc0: {  	v30 =	vadd.s32 s26, v5;
	v20 =	vld.idx.msk [tilespmem:v20+s3+$0x0], $0xffff  }
0xc1: {  	v15 =	vmax.f32 v15, v19;
	v19 =	vld.idx.msk [tilespmem:v52+s3+$0x0], $0xffff  }
0xc2: {  	v32 =	vadd.s32 s28, v8;
	v11 =	vmax.f32 v11, v18;
	v18 =	vld [tilespmem:$0x1FF60]  }
0xc3: {  	[tilespmem:$0x1FF90] =	vst v32;
	v21 =	vmax.f32 v14, v21;
	v14 =	vld.idx.msk [tilespmem:v9+s3+$0x0], $0xffff  }
0xc4: {  	v9 =	vld [tilespmem:$0x1FF90]  }
0xc5: {  	v17 =	vmax.f32 v17, v20;
	v20 =	vld.idx.msk [tilespmem:v30+s3+$0x0], $0xffff  }
0xc6: {  	v16 =	vld.idx.msk [tilespmem:v16+s3+$0x0], $0xffff;
	_ =	sdelay $0x2  }
0xc7: {  	v12 =	vmax.f32 v12, v13;
	v13 =	vld [tilespmem:$0x1FF10]  }
0xc8: {  	v32 =	vadd.s32 s23, v8;
	v17 =	vmax.f32 v17, v20;
	v20 =	vld [tilespmem:$0x1FF30]  }
0xc9: {  	v19 =	vmax.f32 v15, v19;
	v15 =	vmax.f32 v10, v16;
	v16 =	vmax.f32 v0, v22;
	v0 =	vld [tilespmem:$0x1FFD0]  }
0xca: {  	[tilespmem:$0x1FFA0] =	vst v32;
	v23 =	vld.idx.msk [tilespmem:v9+s3+$0x0], $0xffff  }
0xcb: {  	v9 =	vld [tilespmem:$0x1FFA0]  }
0xcc: {  	v18 =	vld.idx.msk [tilespmem:v18+s3+$0x0], $0xffff;
	_ =	sdelay $0x2  }
0xcd: {  	v32 =	vadd.s32 s24, v8;
	v13 =	vld.idx.msk [tilespmem:v13+s3+$0x0], $0xffff  }
0xce: {  	[tilespmem:$0x1FFB0] =	vst v32;
	v32 =	vadd.s32 s26, v8;
	v20 =	vld.idx.msk [tilespmem:v20+s3+$0x0], $0xffff  }
0xcf: {  	[tilespmem:$0x1FFE0] =	vst v32;
	v63 =	vmax.f32 v11, v18;
	v11 =	vld.idx.msk [tilespmem:v0+s3+$0x0], $0xffff  }
0xd0: {  	v0 =	vld [tilespmem:$0x1FFE0]  }
0xd1: {  	v62 =	vld.idx.msk [tilespmem:v9+s3+$0x0], $0xffff  }
0xd2: {  	v31 =	vadd.s32 s26, v7;
	v9 =	vld [tilespmem:$0x1FFB0];
	_ =	sdelay $0x1  }
0xd3: {  	v12 =	vmax.f32 v12, v13;
	v13 =	vld [tilespmem:$0x1FF50];
	_ =	sdelay $0x2  }
0xd4: {  	v32 =	vadd.s32 s22, v8;
	v17 =	vmax.f32 v17, v20;
	v20 =	vld.idx.msk [tilespmem:v31+s3+$0x0], $0xffff  }
0xd5: {  	[tilespmem:$0x1FFF0] =	vst v32;
	v10 =	vld.idx.msk [tilespmem:v0+s3+$0x0], $0xffff  }
0xd6: {  	v0 =	vld [tilespmem:$0x1FFF0]  }
0xd7: {  	v27 =	vld.idx.msk [tilespmem:v9+s3+$0x0], $0xffff  }
0xd8: {  	v9 =	vld [tilespmem:$0x1FFC0]  }
0xd9: {  	v13 =	vld.idx.msk [tilespmem:v13+s3+$0x0], $0xffff  }
0xda: {  	s21 =	sadd.s32 $0x8, s21  }
0xdb: {  	p0 =	slt.u32 s21, $0x178  }
.Ltmp0:
0xdc: {  	_ = 	snop;
	(pc) =	sbr.rel @p0 .LBB2_3-.Ltmp0, $4  }
0xdd: {  	v18 =	vld [tilespmem:s18+$0xFFFFFFC0]  }
0xde: {  	v61 =	vmax.f32 v12, v13;
	v12 =	vmax.f32 v17, v20;
	v17 =	vmax.f32 v21, v23;
	v23 =	vld [tilespmem:s18+$0xFFFFFFD0]  }
0xdf: {  	v13 =	vld.idx.msk [tilespmem:v0+s3+$0x0], $0xffff  }
0xe0: {  	s22 =	sadd.s32 $0x680, s22;
	s19 =	smov.u32 s20;
	v14 =	vmax.f32 v19, v14;
	v20 =	vmax.f32 v61, v62;
	v19 =	vmax.f32 v63, v27;
	v9 =	vld.idx.msk [tilespmem:v9+s3+$0x0], $0xffff  }
0xe1: {  	v0 =	vld [tilespmem:s18+$0xFFFFFFE0]  }
0xe2: {  	v1 =	vld [tilespmem:s18+$0xFFFFFFF0]  }
0xe3: {  	v2 =	vld [tilespmem:s18+$0x0]  }
0xe4: {  	v3 =	vld [tilespmem:s18+$0x10];
	v4 =	vadd.f32 v17, v18  }
0xe5: {  	v5 =	vld [tilespmem:s18+$0x30];
	v6 =	vadd.f32 v20, v23  }
0xe6: {  	v4 =	vmax.f32 v4, $0.0e+00;
	v7 =	vmax.f32 v15, v9;
	v0 =	vadd.f32 v19, v0  }
0xe7: {  	v8 =	vmax.f32 v16, v11;
	[tilespmem:s19+$0xFFFFFFC0] =	vst v4;
	v59 =	vmax.f32 v6, $0.0e+00;
	v1 =	vadd.f32 v7, v1  }
0xe8: {  	v60 =	vmax.f32 v12, v10;
	v2 =	vadd.f32 v8, v2;
	[tilespmem:s19+$0xFFFFFFD0] =	vst v59;
	v0 =	vmax.f32 v0, $0.0e+00  }
0xe9: {  	v61 =	vmax.f32 v14, v13;
	v3 =	vadd.f32 v60, v3;
	v1 =	vmax.f32 v1, $0.0e+00;
	[tilespmem:s19+$0xFFFFFFE0] =	vst v0  }
0xea: {  	v62 =	vadd.f32 v61, v5;
	v2 =	vmax.f32 v2, $0.0e+00;
	[tilespmem:s19+$0xFFFFFFF0] =	vst v1  }
0xeb: {  	s16 =	sadd.s32 $0x1, s16;
	v63 =	vmax.f32 v3, $0.0e+00;
	[tilespmem:s19+$0x0] =	vst v2  }
0xec: {  	p0 =	sne.s32 s16, $0xD;
	v0 =	vmax.f32 v62, $0.0e+00;
	[tilespmem:s19+$0x10] =	vst v63  }
.Ltmp1:
0xed: {  	s17 =	sadd.s32 s5, s17;
	[tilespmem:s19+$0x30] =	vst v0;
	(pc) =	sbr.rel @p0 .LBB2_2-.Ltmp1, $4  }
0xee: {  	[hbm4b:s17+s11] =	stream.strided.scatter [tilespmem:s14], [sflag:$0x1], $0x1800, s12, s11, $0x38;
	[tilespmem:$0x16F50] =	vst v63  }
0xef: {  	_ =	swait.ge [sflag:s9], $0x1800  }
0xf0: {  	[sflag:s9] =	ssyncset.done $0x0  }
0xf1: {  	[sflag:s9] =	ssyncadd.s32 $0xFFFFE800  }
0xf2: {  	s15 =	sadd.s32 $0x1, s15  }
0xf3: {  	p0 =	sne.s32 s15, s8  }
.Ltmp2:
0xf4: {  	_ = 	snop;
	(pc) =	sbr.rel @p0 .LBB2_1-.Ltmp2, $1  }
0xf5: {  	_ =	sdelay $0x3  }
0xf6: {  	_ =	sfence.sel $0x180000  }
0xf7: {  	[bflag:$0x0] =	sbarrier.arrive $0xFFFF  }
0xf8: {  	p0 =	sne.s32 s0, $0x0;
	_ =	strace $0x90000047  }
0xf9: {  	s0 =	sadd.s32 @!p0 $0x100000, s1;
	[bflag:$0x2] =	sbarrier.arrive $0xFFFF  }
0xfa: {  	[sflag:s0] =	ssyncadd.tile.s32 @!p0 $0x1;
	_ =	shalt  }
.Lfunc_end2:
_tile_overlayer_lowered:
.L_overlay_start_2:
0xfb: {  	(tag) =	ssettag $0x2  }
0xfc: {  	s0 =	rddreg [dreg:$0x0];
	s2 =	stileid.u32  }
0xfd: {  	s1 =	rddreg [dreg:$0x1];
	p0 =	sne.s32 s2, $0x0  }
0xfe: {  	s3 =	rddreg [dreg:$0x2];
	[bflag:$0x3] =	sbarrier.arrive $0xFFFF;
	s2 =	simm.s32 @!p0 $0x1C01  }
0xff: {  	[timem:s3], [sflag:s2] =	dma.local @!p0 [hbm:s0], s1  }
0x100: {  	s0 =	simm.s32 @!p0 $0x1  }
0x101: {  	_ =	swait.ge @!p0 [sflag:s0], s1  }
0x102: {  	s1 =	ssub.s32 @!p0 $0x0, s1;
	[sflag:s0] =	ssyncset.done @!p0 $0x0  }
0x103: {  	[sflag:s0] =	ssyncadd.s32 @!p0 s1  }
0x104: {  	[bflag:$0x3] =	sbarrier.arrive $0xFFFF  }
0x105: {  	_ =	shalt  }

</sc_bundles>
